<compile_context>
chip_gen: v7x
topology: tpu7x:2x2x1
jax: 0.10.2.dev20260603
libtpu: 0.0.44.dev20260713+nightly
codegen_flags: <defaults>
</compile_context>

<pallas_src>
import functools

import jax
import jax.numpy as jnp
from jax import lax
from jax.experimental import pallas as pl
from jax.experimental.pallas import tpu as pltpu
from jax.experimental.pallas import tpu_sc as plsc

N = 2048
E = 64
D = 768
F = 512
SF = 1024
NPAIR = 2 * N
BLK = 128
NB = (NPAIR + E * BLK) // BLK
P = NB * BLK
BE_LEN = 128
NEG = -1e30

H = D // 2


def _pack_bf16_pair(a, b):
    ab = lax.bitcast_convert_type(a, jnp.uint32)
    bb = lax.bitcast_convert_type(b, jnp.uint32)
    lo = (ab + jnp.uint32(0x8000)) >> 16
    hi = (bb + jnp.uint32(0x8000)) & jnp.uint32(0xFFFF0000)
    return hi | lo


def _unpack_bf16_pair(p):
    a = lax.bitcast_convert_type(p << 16, jnp.float32)
    b = lax.bitcast_convert_type(p & jnp.uint32(0xFFFF0000), jnp.float32)
    return a, b



def _router_body(x_ref, wr_ref, pos_ref, w_ref, be_ref, aux_ref, xb_ref):
    x = x_ref[...]
    xb_ref[...] = _pack_bf16_pair(x[:, :H], x[:, H:])
    wr = wr_ref[...]
    logits = lax.dot_general(x, wr, (((1,), (1,)), ((), ())),
                             preferred_element_type=jnp.float32)
    iota_e = lax.broadcasted_iota(jnp.int32, (N, E), 1)
    m1 = jnp.max(logits, axis=1, keepdims=True)
    a1 = jnp.min(jnp.where(logits == m1, iota_e, E), axis=1, keepdims=True)
    masked = jnp.where(iota_e == a1, NEG, logits)
    m2 = jnp.max(masked, axis=1, keepdims=True)
    a2 = jnp.min(jnp.where(masked == m2, iota_e, E), axis=1, keepdims=True)
    s = jnp.exp(m2 - m1)
    w_ref[...] = jnp.concatenate([1.0 / (1.0 + s), s / (1.0 + s)], axis=0)

    sm = jnp.exp(logits - m1)
    sm = sm / jnp.sum(sm, axis=1, keepdims=True)
    p_mean = jnp.sum(sm, axis=0, keepdims=True) * (1.0 / N)

    e_pair = jnp.concatenate([a1, a2], axis=0)
    iota_pe = lax.broadcasted_iota(jnp.int32, (NPAIR, E), 1)
    q = (iota_pe == e_pair).astype(jnp.float32)
    c = q
    sh = 1
    while sh < NPAIR:
        c = c + jnp.concatenate(
            [jnp.zeros((sh, E), jnp.float32), c[:-sh, :]], axis=0)
        sh *= 2
    counts = c[NPAIR - 1:NPAIR, :]
    aux_ref[...] = jnp.sum(counts * p_mean, keepdims=True).reshape(1, 1) * (E / N)

    rank = jnp.sum((c - q) * q, axis=1, keepdims=True)
    pcb = jnp.maximum(
        jnp.right_shift(counts.astype(jnp.int32) + (BLK - 1), 7), 1)
    tri = (lax.broadcasted_iota(jnp.int32, (E, E), 0) <
           lax.broadcasted_iota(jnp.int32, (E, E), 1)).astype(jnp.float32)
    offs_b = lax.dot_general(pcb.astype(jnp.float32), tri,
                             (((1,), (0,)), ((), ())),
                             preferred_element_type=jnp.float32)
    pos = rank + jnp.sum(q * (offs_b * float(BLK)), axis=1, keepdims=True)
    pos_ref[...] = pos.astype(jnp.int32)

    bio = lax.broadcasted_iota(jnp.int32, (BE_LEN, E), 0)
    ind = (bio >= offs_b.astype(jnp.int32)).astype(jnp.int32)
    be_ref[...] = jnp.sum(ind, axis=1, keepdims=True) - 1
    be_ref[NB:NB + 1, :] = jnp.sum(pcb, keepdims=True).reshape(1, 1)


def _router(xf, wr):
    return pl.pallas_call(
        _router_body,
        out_shape=[
            jax.ShapeDtypeStruct((NPAIR, 1), jnp.int32),
            jax.ShapeDtypeStruct((NPAIR, 1), jnp.float32),
            jax.ShapeDtypeStruct((BE_LEN, 1), jnp.int32),
            jax.ShapeDtypeStruct((1, 1), jnp.float32),
            jax.ShapeDtypeStruct((N, H), jnp.uint32),
        ],
    )(xf, wr)



_NC, _NS = 2, 16
NW = _NC * _NS
PAIRS_W = NPAIR // NW


@functools.lru_cache(maxsize=None)
def _dispatch_kernel():
    @functools.partial(
        pl.kernel,
        out_type=jax.ShapeDtypeStruct((P, H), jnp.uint32),
        mesh=plsc.VectorSubcoreMesh(core_axis_name="c", subcore_axis_name="s"),
        scratch_types=[
            pltpu.VMEM((PAIRS_W,), jnp.int32),
            pltpu.VMEM((PAIRS_W, H), jnp.uint32),
            pltpu.SemaphoreType.DMA,
        ],
    )
    def body(x_hbm, pos_hbm, xs_hbm, p_v, rows_v, sem):
        wid = lax.axis_index("s") * _NC + lax.axis_index("c")
        base = wid * PAIRS_W
        tbase = lax.rem(base, N)
        pltpu.sync_copy(pos_hbm.at[pl.ds(base, PAIRS_W)], p_v)
        pltpu.sync_copy(x_hbm.at[pl.ds(tbase, PAIRS_W)], rows_v)
        pltpu.async_copy(rows_v, xs_hbm.at[p_v], sem).wait()

    return body


def _dispatch(xf, pos):
    return _dispatch_kernel()(xf, pos)



def _grouped_body(be_ref, xs_ref, wg_ref, wu_ref, wd_ref, ys_ref):
    b = pl.program_id(0)

    @pl.when(b < be_ref[NB])
    def _():
        xa, xc = _unpack_bf16_pair(xs_ref[...])
        xb = jnp.concatenate([xa, xc], axis=1)
        g = lax.dot_general(xb, wg_ref[0], (((1,), (1,)), ((), ())),
                            preferred_element_type=jnp.float32)
        u = lax.dot_general(xb, wu_ref[0], (((1,), (1,)), ((), ())),
                            preferred_element_type=jnp.float32)
        h = g * u / (1.0 + jnp.exp(-g))
        y = lax.dot_general(h, wd_ref[0], (((1,), (1,)), ((), ())),
                            preferred_element_type=jnp.float32)
        ys_ref[...] = _pack_bf16_pair(y[:, :H], y[:, H:])


def _grouped(be, xs, wg, wu, wd):
    grid_spec = pltpu.PrefetchScalarGridSpec(
        num_scalar_prefetch=1,
        grid=(NB,),
        in_specs=[
            pl.BlockSpec((BLK, H),
                         lambda b, be: (jnp.where(b < be[NB], b, 0), 0)),
            pl.BlockSpec((1, F, D), lambda b, be: (be[b], 0, 0)),
            pl.BlockSpec((1, F, D), lambda b, be: (be[b], 0, 0)),
            pl.BlockSpec((1, D, F), lambda b, be: (be[b], 0, 0)),
        ],
        out_specs=pl.BlockSpec((BLK, H),
                               lambda b, be: (jnp.where(b < be[NB], b, NB - 1), 0)),
    )
    return pl.pallas_call(
        _grouped_body,
        grid_spec=grid_spec,
        out_shape=jax.ShapeDtypeStruct((P, H), jnp.uint32),
    )(be, xs, wg, wu, wd)



@functools.lru_cache(maxsize=None)
def _gather_ys_kernel():
    @functools.partial(
        pl.kernel,
        out_type=jax.ShapeDtypeStruct((NPAIR, H), jnp.uint32),
        mesh=plsc.VectorSubcoreMesh(core_axis_name="c", subcore_axis_name="s"),
        scratch_types=[
            pltpu.VMEM((PAIRS_W,), jnp.int32),
            pltpu.VMEM((PAIRS_W, H), jnp.uint32),
            pltpu.SemaphoreType.DMA,
        ],
    )
    def body(ys_hbm, pos_hbm, yg_hbm, p_v, rows_v, sem):
        wid = lax.axis_index("s") * _NC + lax.axis_index("c")
        base = wid * PAIRS_W
        pltpu.sync_copy(pos_hbm.at[pl.ds(base, PAIRS_W)], p_v)
        pltpu.async_copy(ys_hbm.at[p_v], rows_v, sem).wait()
        pltpu.sync_copy(rows_v, yg_hbm.at[pl.ds(base, PAIRS_W)])

    return body


def _gather_ys(ys, pos):
    return _gather_ys_kernel()(ys, pos)



TB = 256
NTB = N // TB


def _shared_body(x_ref, sg_ref, su_ref, sd_ref, o_ref):
    xb = x_ref[...]
    g = lax.dot_general(xb, sg_ref[...], (((1,), (1,)), ((), ())),
                        preferred_element_type=jnp.float32)
    u = lax.dot_general(xb, su_ref[...], (((1,), (1,)), ((), ())),
                        preferred_element_type=jnp.float32)
    h = g * u / (1.0 + jnp.exp(-g))
    o_ref[...] = lax.dot_general(h, sd_ref[...], (((1,), (1,)), ((), ())),
                                 preferred_element_type=jnp.float32)


def _shared(xf, sg, su, sd):
    return pl.pallas_call(
        _shared_body,
        grid=(NTB,),
        in_specs=[
            pl.BlockSpec((TB, D), lambda b: (b, 0)),
            pl.BlockSpec((SF, D), lambda b: (0, 0)),
            pl.BlockSpec((SF, D), lambda b: (0, 0)),
            pl.BlockSpec((D, SF), lambda b: (0, 0)),
        ],
        out_specs=pl.BlockSpec((TB, D), lambda b: (b, 0)),
        out_shape=jax.ShapeDtypeStruct((N, D), jnp.float32),
    )(xf, sg, su, sd)


def _combine_body(shr_ref, w0_ref, w1_ref, y0_ref, y1_ref, o_ref):
    a0, b0 = _unpack_bf16_pair(y0_ref[...])
    a1, b1 = _unpack_bf16_pair(y1_ref[...])
    y0 = jnp.concatenate([a0, b0], axis=1)
    y1 = jnp.concatenate([a1, b1], axis=1)
    o_ref[...] = shr_ref[...] + w0_ref[...] * y0 + w1_ref[...] * y1


def _combine(shr, w, yg):
    return pl.pallas_call(
        _combine_body,
        grid=(NTB,),
        in_specs=[
            pl.BlockSpec((TB, D), lambda b: (b, 0)),
            pl.BlockSpec((TB, 1), lambda b: (b, 0)),
            pl.BlockSpec((TB, 1), lambda b: (b + NTB, 0)),
            pl.BlockSpec((TB, H), lambda b: (b, 0)),
            pl.BlockSpec((TB, H), lambda b: (b + NTB, 0)),
        ],
        out_specs=pl.BlockSpec((TB, D), lambda b: (b, 0)),
        out_shape=jax.ShapeDtypeStruct((N, D), jnp.float32),
    )(shr, w, w, yg, yg)



def kernel(x, Wr, Wg, Wu, Wd, Sg, Su, Sd):
    Bb, Ss, Dm = x.shape
    xf = x.reshape(Bb * Ss, Dm)
    pos2, w2, be2, aux, xb16 = _router(xf, Wr)
    pos = pos2.reshape(NPAIR)
    be = be2.reshape(BE_LEN)
    xs = _dispatch(xb16, pos)
    shr = _shared(xf, Sg, Su, Sd)
    ys = _grouped(be, xs, Wg, Wu, Wd)
    yg = _gather_ys(ys, pos)
    out = _combine(shr, w2, yg)
    return out.reshape(Bb, Ss, Dm), aux.reshape(())

# --- scband reference (transcript-rebuilt; emitter-appended) ---
"""Pipeline reference for scband-mo-elayer-78855599554933 (READ-ONLY COPY).

The authoritative reference and input builder live on the scoring server;
editing this copy changes nothing except your own understanding.
"""

import jax, jax.numpy as jnp
import numpy as np

E = 64
TOPK = 2
D_MODEL = 768
D_FF = 512
S_FF = 1024
B, S = 1, 2048


def _swiglu(x, Wg, Wu, Wd):
    # Linear weights stored torch-style [out, in]
    g = x @ Wg.T
    u = x @ Wu.T
    h = (g * jax.nn.sigmoid(g)) * u  # SiLU(gate) * up
    return h @ Wd.T


def setup_inputs(seed: int = 0) -> dict:
    key = jax.random.key(seed)
    ks = jax.random.split(key, 8)
    s = 0.02
    x = jax.random.normal(ks[0], (B, S, D_MODEL), dtype=jnp.float32)
    Wr = jax.random.normal(ks[1], (E, D_MODEL), dtype=jnp.float32) * s          # router gate [E, D]
    Wg = jax.random.normal(ks[2], (E, D_FF, D_MODEL), dtype=jnp.float32) * s    # per-expert gate_proj
    Wu = jax.random.normal(ks[3], (E, D_FF, D_MODEL), dtype=jnp.float32) * s    # per-expert up_proj
    Wd = jax.random.normal(ks[4], (E, D_MODEL, D_FF), dtype=jnp.float32) * s    # per-expert down_proj
    Sg = jax.random.normal(ks[5], (S_FF, D_MODEL), dtype=jnp.float32) * s       # shared expert
    Su = jax.random.normal(ks[6], (S_FF, D_MODEL), dtype=jnp.float32) * s
    Sd = jax.random.normal(ks[7], (D_MODEL, S_FF), dtype=jnp.float32) * s
    return {"x": x, "Wr": Wr, "Wg": Wg, "Wu": Wu, "Wd": Wd, "Sg": Sg, "Su": Su, "Sd": Sd}


def reference(x, Wr, Wg, Wu, Wd, Sg, Su, Sd):
    Bb, Ss, D = x.shape
    xf = x.reshape(Bb * Ss, D)
    # TopKRouter
    logits = xf @ Wr.T                                   # [N, E]
    topk_logits, topk_idx = jax.lax.top_k(logits, TOPK)  # [N, k]
    topk_w = jax.nn.softmax(topk_logits, axis=-1)        # [N, k]
    # load balancing aux loss
    one_hot = jax.nn.one_hot(topk_idx, E, dtype=jnp.float32).sum(axis=1)  # [N, E]
    f = one_hot.mean(axis=0)
    P = jax.nn.softmax(logits, axis=-1).mean(axis=0)
    aux_loss = E * jnp.sum(f * P)
    # sparse expert dispatch (token gather / scatter-add per expert)
    def _expert_body(routed, inp):
        Wg_e, Wu_e, Wd_e, e = inp
        out_e = _swiglu(xf, Wg_e, Wu_e, Wd_e)
        w_e = jnp.sum(jnp.where(topk_idx == e, topk_w, jnp.zeros_like(topk_w)), axis=1)
        return routed + w_e[:, None] * out_e, None

    routed, _ = jax.lax.scan(
        _expert_body,
        jnp.zeros_like(xf),
        (Wg, Wu, Wd, jnp.arange(E, dtype=topk_idx.dtype)),
    )
    shared = _swiglu(xf, Sg, Su, Sd)
    output = (routed + shared).reshape(Bb, Ss, D)
    return output, aux_loss

if __name__ == "__main__":
    import jax
    _d = setup_inputs()
    print(jax.jit(kernel)(*tuple(_d.values())))

</pallas_src>

<mosaic_0001>
#map = affine_map<(d0, d1) -> (0, 0)>
#map1 = affine_map<(d0, d1) -> (0)>
module attributes {stable_mosaic.version = 14 : i64} {
  func.func @body(%arg0: i32, %arg1: i32, %arg2: memref<12288x384xi32, #tpu.memory_space<hbm>>, %arg3: memref<4096xi32, #tpu.memory_space<hbm>>, %arg4: memref<4096x384xi32, #tpu.memory_space<hbm>>, %arg5: memref<128xi32, #tpu.memory_space<vmem>>, %arg6: memref<128x384xi32, #tpu.memory_space<vmem>>, %arg7: memref<!tpu.dma_semaphore, #tpu.memory_space<semaphore_mem>>) attributes {dimension_semantics = [#tpu.dimension_semantics<core_parallel>, #tpu.dimension_semantics<subcore_parallel>], iteration_bounds = array<i64: 2, 16>, scalar_prefetch = 0 : i64, scratch_operands = 3 : i64, tpu.core_type = #tpu.core_type<sc_vector_subcore>, window_params = [{transform_indices = #map}, {transform_indices = #map1}, {transform_indices = #map}]} {
    %mul3A = arith.constant 2 : i32
    %mul3A_0 = arith.muli %arg1, %mul3A : i32
    %add3A = arith.addi %mul3A_0, %arg0 : i32
    %mul3A_1 = arith.constant 128 : i32
    %mul3A_2 = arith.muli %add3A, %mul3A_1 : i32
    "tpu.region"() ({
      %run_scoped3A = tpu.sem_alloc : memref<!tpu.dma_semaphore, #tpu.memory_space<semaphore_mem>>
      %dma_start3A_7 = tpu.memref_slice %arg3[%mul3A_2] : memref<4096xi32, #tpu.memory_space<hbm>> -> memref<128xi32, #tpu.memory_space<hbm>>
      %dma_start3A_8 = tpu.memref_slice %arg3[%mul3A_2] : memref<4096xi32, #tpu.memory_space<hbm>> -> memref<128xi32, #tpu.memory_space<hbm>>
      tpu.enqueue_dma source(%dma_start3A_8 : memref<128xi32, #tpu.memory_space<hbm>>) target(%arg5 : memref<128xi32, #tpu.memory_space<vmem>>) target_semaphore(%run_scoped3A : memref<!tpu.dma_semaphore, #tpu.memory_space<semaphore_mem>>)
      %dma_wait3A_9 = tpu.memref_slice %arg3[%mul3A_2] : memref<4096xi32, #tpu.memory_space<hbm>> -> memref<128xi32, #tpu.memory_space<hbm>>
      %dma_wait3A_10 = tpu.memref_slice %arg3[%mul3A_2] : memref<4096xi32, #tpu.memory_space<hbm>> -> memref<128xi32, #tpu.memory_space<hbm>>
      tpu.wait_dma2 semaphore(%run_scoped3A : memref<!tpu.dma_semaphore, #tpu.memory_space<semaphore_mem>>) src(%dma_wait3A_10 : memref<128xi32, #tpu.memory_space<hbm>>) dst(%arg5 : memref<128xi32, #tpu.memory_space<vmem>>)
      tpu.yield
    }) : () -> ()
    %dma_start3A = arith.constant 0 : i32
    %dma_start3A_3 = arith.constant 0 : i32
    %dma_start3A_4 = tpu.memref_slice %arg2[%dma_start3A, %dma_start3A_3] : memref<12288x384xi32, #tpu.memory_space<hbm>> -> memref<12288x384xi32, #tpu.memory_space<hbm>>
    tpu.enqueue_indirect_dma source(%dma_start3A_4 : memref<12288x384xi32, #tpu.memory_space<hbm>>) target(%arg6 : memref<128x384xi32, #tpu.memory_space<vmem>>) offsets(%arg5 : memref<128xi32, #tpu.memory_space<vmem>>) semaphore(%arg7 : memref<!tpu.dma_semaphore, #tpu.memory_space<semaphore_mem>>)
    %dma_wait3A = arith.constant 0 : i32
    %dma_wait3A_5 = arith.constant 0 : i32
    %dma_wait3A_6 = tpu.memref_slice %arg2[%dma_wait3A, %dma_wait3A_5] : memref<12288x384xi32, #tpu.memory_space<hbm>> -> memref<12288x384xi32, #tpu.memory_space<hbm>>
    tpu.wait_indirect_dma semaphore(%arg7 : memref<!tpu.dma_semaphore, #tpu.memory_space<semaphore_mem>>) src(%dma_wait3A_6 : memref<12288x384xi32, #tpu.memory_space<hbm>>) dst(%arg6 : memref<128x384xi32, #tpu.memory_space<vmem>>)
    "tpu.region"() ({
      %run_scoped3A = tpu.sem_alloc : memref<!tpu.dma_semaphore, #tpu.memory_space<semaphore_mem>>
      %dma_start3A_7 = arith.constant 0 : i32
      %dma_start3A_8 = tpu.memref_slice %arg4[%mul3A_2, %dma_start3A_7] : memref<4096x384xi32, #tpu.memory_space<hbm>> -> memref<128x384xi32, #tpu.memory_space<hbm>>
      %dma_start3A_9 = arith.constant 0 : i32
      %dma_start3A_10 = tpu.memref_slice %arg4[%mul3A_2, %dma_start3A_9] : memref<4096x384xi32, #tpu.memory_space<hbm>> -> memref<128x384xi32, #tpu.memory_space<hbm>>
      tpu.enqueue_dma source(%arg6 : memref<128x384xi32, #tpu.memory_space<vmem>>) target(%dma_start3A_10 : memref<128x384xi32, #tpu.memory_space<hbm>>) target_semaphore(%run_scoped3A : memref<!tpu.dma_semaphore, #tpu.memory_space<semaphore_mem>>)
      %dma_wait3A_11 = arith.constant 0 : i32
      %dma_wait3A_12 = tpu.memref_slice %arg4[%mul3A_2, %dma_wait3A_11] : memref<4096x384xi32, #tpu.memory_space<hbm>> -> memref<128x384xi32, #tpu.memory_space<hbm>>
      %dma_wait3A_13 = arith.constant 0 : i32
      %dma_wait3A_14 = tpu.memref_slice %arg4[%mul3A_2, %dma_wait3A_13] : memref<4096x384xi32, #tpu.memory_space<hbm>> -> memref<128x384xi32, #tpu.memory_space<hbm>>
      tpu.wait_dma2 semaphore(%run_scoped3A : memref<!tpu.dma_semaphore, #tpu.memory_space<semaphore_mem>>) src(%arg6 : memref<128x384xi32, #tpu.memory_space<vmem>>) dst(%dma_wait3A_14 : memref<128x384xi32, #tpu.memory_space<hbm>>)
      tpu.yield
    }) : () -> ()
    return
  }
}

#map = affine_map<(d0, d1) -> (0, 0)>
#map1 = affine_map<(d0, d1) -> (0)>
module attributes {stable_mosaic.version = 14 : i64} {
  func.func @body(%arg0: i32, %arg1: i32, %arg2: memref<2048x384xi32, #tpu.memory_space<hbm>>, %arg3: memref<4096xi32, #tpu.memory_space<hbm>>, %arg4: memref<12288x384xi32, #tpu.memory_space<hbm>>, %arg5: memref<128xi32, #tpu.memory_space<vmem>>, %arg6: memref<128x384xi32, #tpu.memory_space<vmem>>, %arg7: memref<!tpu.dma_semaphore, #tpu.memory_space<semaphore_mem>>) attributes {dimension_semantics = [#tpu.dimension_semantics<core_parallel>, #tpu.dimension_semantics<subcore_parallel>], iteration_bounds = array<i64: 2, 16>, scalar_prefetch = 0 : i64, scratch_operands = 3 : i64, tpu.core_type = #tpu.core_type<sc_vector_subcore>, window_params = [{transform_indices = #map}, {transform_indices = #map1}, {transform_indices = #map}]} {
    %mul3A = arith.constant 2 : i32
    %mul3A_0 = arith.muli %arg1, %mul3A : i32
    %add3A = arith.addi %mul3A_0, %arg0 : i32
    %mul3A_1 = arith.constant 128 : i32
    %mul3A_2 = arith.muli %add3A, %mul3A_1 : i32
    %rem3A = arith.constant 2048 : i32
    %rem3A_3 = arith.remsi %mul3A_2, %rem3A : i32
    "tpu.region"() ({
      %run_scoped3A = tpu.sem_alloc : memref<!tpu.dma_semaphore, #tpu.memory_space<semaphore_mem>>
      %dma_start3A_8 = tpu.memref_slice %arg3[%mul3A_2] : memref<4096xi32, #tpu.memory_space<hbm>> -> memref<128xi32, #tpu.memory_space<hbm>>
      %dma_start3A_9 = tpu.memref_slice %arg3[%mul3A_2] : memref<4096xi32, #tpu.memory_space<hbm>> -> memref<128xi32, #tpu.memory_space<hbm>>
      tpu.enqueue_dma source(%dma_start3A_9 : memref<128xi32, #tpu.memory_space<hbm>>) target(%arg5 : memref<128xi32, #tpu.memory_space<vmem>>) target_semaphore(%run_scoped3A : memref<!tpu.dma_semaphore, #tpu.memory_space<semaphore_mem>>)
      %dma_wait3A_10 = tpu.memref_slice %arg3[%mul3A_2] : memref<4096xi32, #tpu.memory_space<hbm>> -> memref<128xi32, #tpu.memory_space<hbm>>
      %dma_wait3A_11 = tpu.memref_slice %arg3[%mul3A_2] : memref<4096xi32, #tpu.memory_space<hbm>> -> memref<128xi32, #tpu.memory_space<hbm>>
      tpu.wait_dma2 semaphore(%run_scoped3A : memref<!tpu.dma_semaphore, #tpu.memory_space<semaphore_mem>>) src(%dma_wait3A_11 : memref<128xi32, #tpu.memory_space<hbm>>) dst(%arg5 : memref<128xi32, #tpu.memory_space<vmem>>)
      tpu.yield
    }) : () -> ()
    "tpu.region"() ({
      %run_scoped3A = tpu.sem_alloc : memref<!tpu.dma_semaphore, #tpu.memory_space<semaphore_mem>>
      %dma_start3A_8 = arith.constant 0 : i32
      %dma_start3A_9 = tpu.memref_slice %arg2[%rem3A_3, %dma_start3A_8] : memref<2048x384xi32, #tpu.memory_space<hbm>> -> memref<128x384xi32, #tpu.memory_space<hbm>>
      %dma_start3A_10 = arith.constant 0 : i32
      %dma_start3A_11 = tpu.memref_slice %arg2[%rem3A_3, %dma_start3A_10] : memref<2048x384xi32, #tpu.memory_space<hbm>> -> memref<128x384xi32, #tpu.memory_space<hbm>>
      tpu.enqueue_dma source(%dma_start3A_11 : memref<128x384xi32, #tpu.memory_space<hbm>>) target(%arg6 : memref<128x384xi32, #tpu.memory_space<vmem>>) target_semaphore(%run_scoped3A : memref<!tpu.dma_semaphore, #tpu.memory_space<semaphore_mem>>)
      %dma_wait3A_12 = arith.constant 0 : i32
      %dma_wait3A_13 = tpu.memref_slice %arg2[%rem3A_3, %dma_wait3A_12] : memref<2048x384xi32, #tpu.memory_space<hbm>> -> memref<128x384xi32, #tpu.memory_space<hbm>>
      %dma_wait3A_14 = arith.constant 0 : i32
      %dma_wait3A_15 = tpu.memref_slice %arg2[%rem3A_3, %dma_wait3A_14] : memref<2048x384xi32, #tpu.memory_space<hbm>> -> memref<128x384xi32, #tpu.memory_space<hbm>>
      tpu.wait_dma2 semaphore(%run_scoped3A : memref<!tpu.dma_semaphore, #tpu.memory_space<semaphore_mem>>) src(%dma_wait3A_15 : memref<128x384xi32, #tpu.memory_space<hbm>>) dst(%arg6 : memref<128x384xi32, #tpu.memory_space<vmem>>)
      tpu.yield
    }) : () -> ()
    %dma_start3A = arith.constant 0 : i32
    %dma_start3A_4 = arith.constant 0 : i32
    %dma_start3A_5 = tpu.memref_slice %arg4[%dma_start3A, %dma_start3A_4] : memref<12288x384xi32, #tpu.memory_space<hbm>> -> memref<12288x384xi32, #tpu.memory_space<hbm>>
    tpu.enqueue_indirect_dma source(%arg6 : memref<128x384xi32, #tpu.memory_space<vmem>>) target(%dma_start3A_5 : memref<12288x384xi32, #tpu.memory_space<hbm>>) offsets(%arg5 : memref<128xi32, #tpu.memory_space<vmem>>) semaphore(%arg7 : memref<!tpu.dma_semaphore, #tpu.memory_space<semaphore_mem>>)
    %dma_wait3A = arith.constant 0 : i32
    %dma_wait3A_6 = arith.constant 0 : i32
    %dma_wait3A_7 = tpu.memref_slice %arg4[%dma_wait3A, %dma_wait3A_6] : memref<12288x384xi32, #tpu.memory_space<hbm>> -> memref<12288x384xi32, #tpu.memory_space<hbm>>
    tpu.wait_indirect_dma semaphore(%arg7 : memref<!tpu.dma_semaphore, #tpu.memory_space<semaphore_mem>>) src(%arg6 : memref<128x384xi32, #tpu.memory_space<vmem>>) dst(%dma_wait3A_7 : memref<12288x384xi32, #tpu.memory_space<hbm>>)
    return
  }
}

module attributes {stable_mosaic.version = 14 : i64} {
  func.func @_grouped_body(%arg0: i32, %arg1: memref<128xi32, #tpu.memory_space<smem>>, %arg2: memref<128x384xi32, #tpu.memory_space<vmem>>, %arg3: memref<1x512x768xf32, #tpu.memory_space<vmem>>, %arg4: memref<1x512x768xf32, #tpu.memory_space<vmem>>, %arg5: memref<1x768x512xf32, #tpu.memory_space<vmem>>, %arg6: memref<128x384xi32, #tpu.memory_space<vmem>>) attributes {dimension_semantics = [#tpu.dimension_semantics<arbitrary>], iteration_bounds = array<i64: 96>, scalar_prefetch = 1 : i64, scratch_operands = 0 : i64, tpu.core_type = #tpu.core_type<tc>, window_params = [{transform_indices = @transform_0, window_bounds = array<i64: 128, 384>}, {transform_indices = @transform_1, window_bounds = array<i64: 1, 512, 768>}, {transform_indices = @transform_2, window_bounds = array<i64: 1, 512, 768>}, {transform_indices = @transform_3, window_bounds = array<i64: 1, 768, 512>}, {transform_indices = @transform_4, window_bounds = array<i64: 128, 384>}]} {
    %get3A = arith.constant 96 : index
    %get3A_0 = memref.load %arg1[%get3A] : memref<128xi32, #tpu.memory_space<smem>>
    %lt3A = arith.cmpi slt, %arg0, %get3A_0 : i32
    %convert_element_type3A = arith.extui %lt3A : i1 to i32
    %cond3A = arith.constant 0 : i32
    %cond3A_1 = arith.cmpi ne, %convert_element_type3A, %cond3A : i32
    scf.if %cond3A_1 {
      %get3A_2 = arith.constant 0 : index
      %get3A_3 = arith.constant 0 : index
      %get3A_4 = vector.load %arg2[%get3A_2, %get3A_3] : memref<128x384xi32, #tpu.memory_space<vmem>>, vector<128x384xi32>
      %shift_left3A = arith.constant 16 : i32
      %shift_left3A_5 = vector.broadcast %shift_left3A : i32 to vector<128x384xi32>
      %shift_left3A_6 = arith.shli %get3A_4, %shift_left3A_5 : vector<128x384xi32>
      %bitcast_convert_type3A = tpu.bitcast %shift_left3A_6 : vector<128x384xi32> -> vector<128x384xf32>
      %and3A = arith.constant -65536 : i32
      %and3A_7 = vector.broadcast %and3A : i32 to vector<128x384xi32>
      %and3A_8 = arith.andi %get3A_4, %and3A_7 : vector<128x384xi32>
      %bitcast_convert_type3A_9 = tpu.bitcast %and3A_8 : vector<128x384xi32> -> vector<128x384xf32>
      %concatenate3A = tpu.concatenate %bitcast_convert_type3A, %bitcast_convert_type3A_9 in 1 : vector<128x384xf32>, vector<128x384xf32> -> vector<128x768xf32>
      %get3A_10 = arith.constant 0 : index
      %get3A_11 = arith.constant 0 : index
      %get3A_12 = arith.constant 0 : index
      %get3A_13 = vector.load %arg3[%get3A_10, %get3A_11, %get3A_12] : memref<1x512x768xf32, #tpu.memory_space<vmem>>, vector<1x512x768xf32>
      %get3A_14 = vector.shape_cast %get3A_13 : vector<1x512x768xf32> to vector<512x768xf32>
      %dot_general3A = arith.constant dense<0.000000e+00> : vector<128x512xf32>
      %dot_general3A_15 = tpu.matmul %concatenate3A, %get3A_14, %dot_general3A {dimension_numbers = #tpu.dot_dimension_numbers<[1], [1], [0], [0], [0, 0, 1, 0], [], []>, transpose_lhs_hint = false} : vector<128x768xf32>, vector<512x768xf32>, vector<128x512xf32> -> vector<128x512xf32>
      %get3A_16 = arith.constant 0 : index
      %get3A_17 = arith.constant 0 : index
      %get3A_18 = arith.constant 0 : index
      %get3A_19 = vector.load %arg4[%get3A_16, %get3A_17, %get3A_18] : memref<1x512x768xf32, #tpu.memory_space<vmem>>, vector<1x512x768xf32>
      %get3A_20 = vector.shape_cast %get3A_19 : vector<1x512x768xf32> to vector<512x768xf32>
      %dot_general3A_21 = arith.constant dense<0.000000e+00> : vector<128x512xf32>
      %dot_general3A_22 = tpu.matmul %concatenate3A, %get3A_20, %dot_general3A_21 {dimension_numbers = #tpu.dot_dimension_numbers<[1], [1], [0], [0], [0, 0, 1, 0], [], []>, transpose_lhs_hint = false} : vector<128x768xf32>, vector<512x768xf32>, vector<128x512xf32> -> vector<128x512xf32>
      %mul3A = arith.mulf %dot_general3A_15, %dot_general3A_22 : vector<128x512xf32>
      %neg3A = arith.constant 0.000000e+00 : f32
      %neg3A_23 = vector.broadcast %neg3A : f32 to vector<128x512xf32>
      %neg3A_24 = arith.subf %neg3A_23, %dot_general3A_15 : vector<128x512xf32>
      %exp3A = math.exp %neg3A_24 : vector<128x512xf32>
      %add3A = arith.constant 1.000000e+00 : f32
      %add3A_25 = vector.broadcast %add3A : f32 to vector<128x512xf32>
      %add3A_26 = arith.addf %add3A_25, %exp3A : vector<128x512xf32>
      %div3A = arith.divf %mul3A, %add3A_26 : vector<128x512xf32>
      %get3A_27 = arith.constant 0 : index
      %get3A_28 = arith.constant 0 : index
      %get3A_29 = arith.constant 0 : index
      %get3A_30 = vector.load %arg5[%get3A_27, %get3A_28, %get3A_29] : memref<1x768x512xf32, #tpu.memory_space<vmem>>, vector<1x768x512xf32>
      %get3A_31 = vector.shape_cast %get3A_30 : vector<1x768x512xf32> to vector<768x512xf32>
      %dot_general3A_32 = arith.constant dense<0.000000e+00> : vector<128x768xf32>
      %dot_general3A_33 = tpu.matmul %div3A, %get3A_31, %dot_general3A_32 {dimension_numbers = #tpu.dot_dimension_numbers<[1], [1], [0], [0], [0, 0, 1, 0], [], []>, transpose_lhs_hint = false} : vector<128x512xf32>, vector<768x512xf32>, vector<128x768xf32> -> vector<128x768xf32>
      %slice3A = vector.extract_strided_slice %dot_general3A_33 {offsets = [0, 0], sizes = [128, 384], strides = [1, 1]} : vector<128x768xf32> to vector<128x384xf32>
      %slice3A_34 = vector.extract_strided_slice %dot_general3A_33 {offsets = [0, 384], sizes = [128, 384], strides = [1, 1]} : vector<128x768xf32> to vector<128x384xf32>
      %bitcast_convert_type3A_35 = tpu.bitcast %slice3A : vector<128x384xf32> -> vector<128x384xi32>
      %bitcast_convert_type3A_36 = tpu.bitcast %slice3A_34 : vector<128x384xf32> -> vector<128x384xi32>
      %add3A_37 = arith.constant 32768 : i32
      %add3A_38 = vector.broadcast %add3A_37 : i32 to vector<128x384xi32>
      %add3A_39 = arith.addi %bitcast_convert_type3A_35, %add3A_38 : vector<128x384xi32>
      %shift_right_logical3A = arith.constant 16 : i32
      %shift_right_logical3A_40 = vector.broadcast %shift_right_logical3A : i32 to vector<128x384xi32>
      %shift_right_logical3A_41 = arith.shrui %add3A_39, %shift_right_logical3A_40 : vector<128x384xi32>
      %add3A_42 = arith.constant 32768 : i32
      %add3A_43 = vector.broadcast %add3A_42 : i32 to vector<128x384xi32>
      %add3A_44 = arith.addi %bitcast_convert_type3A_36, %add3A_43 : vector<128x384xi32>
      %and3A_45 = arith.constant -65536 : i32
      %and3A_46 = vector.broadcast %and3A_45 : i32 to vector<128x384xi32>
      %and3A_47 = arith.andi %add3A_44, %and3A_46 : vector<128x384xi32>
      %or3A = arith.ori %and3A_47, %shift_right_logical3A_41 : vector<128x384xi32>
      %swap3A = arith.constant 0 : index
      %swap3A_48 = arith.constant 0 : index
      %swap3A_49 = vector.load %arg6[%swap3A, %swap3A_48] : memref<128x384xi32, #tpu.memory_space<vmem>>, vector<128x384xi32>
      tpu.vector_store %arg6[%swap3A, %swap3A_48], %or3A {strides = array<i32>} : memref<128x384xi32, #tpu.memory_space<vmem>>, vector<128x384xi32>,
    } else {
    }
    return
  }
  func.func @transform_0(%arg0: i32, %arg1: memref<128xi32, #tpu.memory_space<smem>>) -> (i32, i32) {
    %get3A = arith.constant 96 : index
    %get3A_0 = memref.load %arg1[%get3A] : memref<128xi32, #tpu.memory_space<smem>>
    %lt3A = arith.cmpi slt, %arg0, %get3A_0 : i32
    %jit3A = arith.constant 0 : i32
    %select_n3A = arith.select %lt3A, %arg0, %jit3A : i32
    %c0_i32 = arith.constant 0 : i32
    %c0_i32_1 = arith.constant 0 : i32
    return %select_n3A, %c0_i32 : i32, i32
  }
  func.func @transform_1(%arg0: i32, %arg1: memref<128xi32, #tpu.memory_space<smem>>) -> (i32, i32, i32) {
    %get3A = arith.index_cast %arg0 : i32 to index
    %get3A_0 = memref.load %arg1[%get3A] : memref<128xi32, #tpu.memory_space<smem>>
    %c0_i32 = arith.constant 0 : i32
    %c0_i32_1 = arith.constant 0 : i32
    %c0_i32_2 = arith.constant 0 : i32
    return %get3A_0, %c0_i32, %c0_i32_1 : i32, i32, i32
  }
  func.func @transform_2(%arg0: i32, %arg1: memref<128xi32, #tpu.memory_space<smem>>) -> (i32, i32, i32) {
    %get3A = arith.index_cast %arg0 : i32 to index
    %get3A_0 = memref.load %arg1[%get3A] : memref<128xi32, #tpu.memory_space<smem>>
    %c0_i32 = arith.constant 0 : i32
    %c0_i32_1 = arith.constant 0 : i32
    %c0_i32_2 = arith.constant 0 : i32
    return %get3A_0, %c0_i32, %c0_i32_1 : i32, i32, i32
  }
  func.func @transform_3(%arg0: i32, %arg1: memref<128xi32, #tpu.memory_space<smem>>) -> (i32, i32, i32) {
    %get3A = arith.index_cast %arg0 : i32 to index
    %get3A_0 = memref.load %arg1[%get3A] : memref<128xi32, #tpu.memory_space<smem>>
    %c0_i32 = arith.constant 0 : i32
    %c0_i32_1 = arith.constant 0 : i32
    %c0_i32_2 = arith.constant 0 : i32
    return %get3A_0, %c0_i32, %c0_i32_1 : i32, i32, i32
  }
  func.func @transform_4(%arg0: i32, %arg1: memref<128xi32, #tpu.memory_space<smem>>) -> (i32, i32) {
    %get3A = arith.constant 96 : index
    %get3A_0 = memref.load %arg1[%get3A] : memref<128xi32, #tpu.memory_space<smem>>
    %lt3A = arith.cmpi slt, %arg0, %get3A_0 : i32
    %jit3A = arith.constant 95 : i32
    %select_n3A = arith.select %lt3A, %arg0, %jit3A : i32
    %c0_i32 = arith.constant 0 : i32
    %c0_i32_1 = arith.constant 0 : i32
    return %select_n3A, %c0_i32 : i32, i32
  }
}

module attributes {stable_mosaic.version = 14 : i64} {
  func.func @_router_body(%arg0: memref<2048x768xf32, #tpu.memory_space<vmem>>, %arg1: memref<64x768xf32, #tpu.memory_space<vmem>>, %arg2: memref<4096x1xi32, #tpu.memory_space<vmem>>, %arg3: memref<4096x1xf32, #tpu.memory_space<vmem>>, %arg4: memref<128x1xi32, #tpu.memory_space<vmem>>, %arg5: memref<1x1xf32, #tpu.memory_space<vmem>>, %arg6: memref<2048x384xi32, #tpu.memory_space<vmem>>) attributes {dimension_semantics = [], scalar_prefetch = 0 : i64, scratch_operands = 0 : i64, tpu.core_type = #tpu.core_type<tc>} {
    %get3A = arith.constant 0 : index
    %get3A_0 = arith.constant 0 : index
    %get3A_1 = vector.load %arg0[%get3A, %get3A_0] : memref<2048x768xf32, #tpu.memory_space<vmem>>, vector<2048x768xf32>
    %slice3A = vector.extract_strided_slice %get3A_1 {offsets = [0, 0], sizes = [2048, 384], strides = [1, 1]} : vector<2048x768xf32> to vector<2048x384xf32>
    %slice3A_2 = vector.extract_strided_slice %get3A_1 {offsets = [0, 384], sizes = [2048, 384], strides = [1, 1]} : vector<2048x768xf32> to vector<2048x384xf32>
    %bitcast_convert_type3A = tpu.bitcast %slice3A : vector<2048x384xf32> -> vector<2048x384xi32>
    %bitcast_convert_type3A_3 = tpu.bitcast %slice3A_2 : vector<2048x384xf32> -> vector<2048x384xi32>
    %add3A = arith.constant 32768 : i32
    %add3A_4 = vector.broadcast %add3A : i32 to vector<2048x384xi32>
    %add3A_5 = arith.addi %bitcast_convert_type3A, %add3A_4 : vector<2048x384xi32>
    %shift_right_logical3A = arith.constant 16 : i32
    %shift_right_logical3A_6 = vector.broadcast %shift_right_logical3A : i32 to vector<2048x384xi32>
    %shift_right_logical3A_7 = arith.shrui %add3A_5, %shift_right_logical3A_6 : vector<2048x384xi32>
    %add3A_8 = arith.constant 32768 : i32
    %add3A_9 = vector.broadcast %add3A_8 : i32 to vector<2048x384xi32>
    %add3A_10 = arith.addi %bitcast_convert_type3A_3, %add3A_9 : vector<2048x384xi32>
    %and3A = arith.constant -65536 : i32
    %and3A_11 = vector.broadcast %and3A : i32 to vector<2048x384xi32>
    %and3A_12 = arith.andi %add3A_10, %and3A_11 : vector<2048x384xi32>
    %or3A = arith.ori %and3A_12, %shift_right_logical3A_7 : vector<2048x384xi32>
    %swap3A = arith.constant 0 : index
    %swap3A_13 = arith.constant 0 : index
    %swap3A_14 = vector.load %arg6[%swap3A, %swap3A_13] : memref<2048x384xi32, #tpu.memory_space<vmem>>, vector<2048x384xi32>
    tpu.vector_store %arg6[%swap3A, %swap3A_13], %or3A {strides = array<i32>} : memref<2048x384xi32, #tpu.memory_space<vmem>>, vector<2048x384xi32>,
    %get3A_15 = arith.constant 0 : index
    %get3A_16 = arith.constant 0 : index
    %get3A_17 = vector.load %arg1[%get3A_15, %get3A_16] : memref<64x768xf32, #tpu.memory_space<vmem>>, vector<64x768xf32>
    %dot_general3A = arith.constant dense<0.000000e+00> : vector<2048x64xf32>
    %dot_general3A_18 = tpu.matmul %get3A_1, %get3A_17, %dot_general3A {dimension_numbers = #tpu.dot_dimension_numbers<[1], [1], [0], [0], [0, 0, 1, 0], [], []>, transpose_lhs_hint = false} : vector<2048x768xf32>, vector<64x768xf32>, vector<2048x64xf32> -> vector<2048x64xf32>
    %iota3A = tpu.iota {dimensions = array<i32: 1>} : vector<2048x64xi32>
    %reduce_max3A = arith.constant dense<0xFF800000> : vector<2048xf32>
    %reduce_max3A_19 = vector.multi_reduction <maximumf>, %dot_general3A_18, %reduce_max3A [1] : vector<2048x64xf32> to vector<2048xf32>
    %broadcast_in_dim3A = vector.shape_cast %reduce_max3A_19 : vector<2048xf32> to vector<2048x1xf32>
    %eq3A = vector.broadcast %broadcast_in_dim3A : vector<2048x1xf32> to vector<2048x64xf32>
    %eq3A_20 = arith.cmpf oeq, %dot_general3A_18, %eq3A : vector<2048x64xf32>
    %jit3A = arith.constant 64 : i32
    %broadcast_in_dim3A_21 = vector.broadcast %jit3A : i32 to vector<2048x64xi32>
    %select_n3A = arith.select %eq3A_20, %iota3A, %broadcast_in_dim3A_21 : vector<2048x64xi1>, vector<2048x64xi32>
    %reduce_min3A = arith.constant dense<2147483647> : vector<2048xi32>
    %reduce_min3A_22 = vector.multi_reduction <minsi>, %select_n3A, %reduce_min3A [1] : vector<2048x64xi32> to vector<2048xi32>
    %broadcast_in_dim3A_23 = vector.shape_cast %reduce_min3A_22 : vector<2048xi32> to vector<2048x1xi32>
    %eq3A_24 = vector.broadcast %broadcast_in_dim3A_23 : vector<2048x1xi32> to vector<2048x64xi32>
    %eq3A_25 = arith.cmpi eq, %iota3A, %eq3A_24 : vector<2048x64xi32>
    %jit3A_26 = arith.constant -1.000000e+30 : f32
    %broadcast_in_dim3A_27 = vector.broadcast %jit3A_26 : f32 to vector<2048x64xf32>
    %select_n3A_28 = arith.select %eq3A_25, %broadcast_in_dim3A_27, %dot_general3A_18 : vector<2048x64xi1>, vector<2048x64xf32>
    %reduce_max3A_29 = arith.constant dense<0xFF800000> : vector<2048xf32>
    %reduce_max3A_30 = vector.multi_reduction <maximumf>, %select_n3A_28, %reduce_max3A_29 [1] : vector<2048x64xf32> to vector<2048xf32>
    %broadcast_in_dim3A_31 = vector.shape_cast %reduce_max3A_30 : vector<2048xf32> to vector<2048x1xf32>
    %eq3A_32 = vector.broadcast %broadcast_in_dim3A_31 : vector<2048x1xf32> to vector<2048x64xf32>
    %eq3A_33 = arith.cmpf oeq, %select_n3A_28, %eq3A_32 : vector<2048x64xf32>
    %jit3A_34 = arith.constant 64 : i32
    %broadcast_in_dim3A_35 = vector.broadcast %jit3A_34 : i32 to vector<2048x64xi32>
    %select_n3A_36 = arith.select %eq3A_33, %iota3A, %broadcast_in_dim3A_35 : vector<2048x64xi1>, vector<2048x64xi32>
    %reduce_min3A_37 = arith.constant dense<2147483647> : vector<2048xi32>
    %reduce_min3A_38 = vector.multi_reduction <minsi>, %select_n3A_36, %reduce_min3A_37 [1] : vector<2048x64xi32> to vector<2048xi32>
    %broadcast_in_dim3A_39 = vector.shape_cast %reduce_min3A_38 : vector<2048xi32> to vector<2048x1xi32>
    %sub3A = arith.subf %broadcast_in_dim3A_31, %broadcast_in_dim3A : vector<2048x1xf32>
    %exp3A = math.exp %sub3A : vector<2048x1xf32>
    %add3A_40 = arith.constant 1.000000e+00 : f32
    %add3A_41 = vector.broadcast %add3A_40 : f32 to vector<2048x1xf32>
    %add3A_42 = arith.addf %add3A_41, %exp3A : vector<2048x1xf32>
    %div3A = arith.constant 1.000000e+00 : f32
    %div3A_43 = vector.broadcast %div3A : f32 to vector<2048x1xf32>
    %div3A_44 = arith.divf %div3A_43, %add3A_42 : vector<2048x1xf32>
    %add3A_45 = arith.constant 1.000000e+00 : f32
    %add3A_46 = vector.broadcast %add3A_45 : f32 to vector<2048x1xf32>
    %add3A_47 = arith.addf %add3A_46, %exp3A : vector<2048x1xf32>
    %div3A_48 = arith.divf %exp3A, %add3A_47 : vector<2048x1xf32>
    %concatenate3A = tpu.concatenate %div3A_44, %div3A_48 in 0 : vector<2048x1xf32>, vector<2048x1xf32> -> vector<4096x1xf32>
    %swap3A_49 = arith.constant 0 : index
    %swap3A_50 = arith.constant 0 : index
    %swap3A_51 = vector.load %arg3[%swap3A_49, %swap3A_50] : memref<4096x1xf32, #tpu.memory_space<vmem>>, vector<4096x1xf32>
    tpu.vector_store %arg3[%swap3A_49, %swap3A_50], %concatenate3A {strides = array<i32>} : memref<4096x1xf32, #tpu.memory_space<vmem>>, vector<4096x1xf32>,
    %sub3A_52 = vector.broadcast %broadcast_in_dim3A : vector<2048x1xf32> to vector<2048x64xf32>
    %sub3A_53 = arith.subf %dot_general3A_18, %sub3A_52 : vector<2048x64xf32>
    %exp3A_54 = math.exp %sub3A_53 : vector<2048x64xf32>
    %reduce_sum3A = arith.constant dense<0.000000e+00> : vector<2048xf32>
    %reduce_sum3A_55 = vector.multi_reduction <add>, %exp3A_54, %reduce_sum3A [1] : vector<2048x64xf32> to vector<2048xf32>
    %broadcast_in_dim3A_56 = vector.shape_cast %reduce_sum3A_55 : vector<2048xf32> to vector<2048x1xf32>
    %div3A_57 = vector.broadcast %broadcast_in_dim3A_56 : vector<2048x1xf32> to vector<2048x64xf32>
    %div3A_58 = arith.divf %exp3A_54, %div3A_57 : vector<2048x64xf32>
    %reduce_sum3A_59 = arith.constant dense<0.000000e+00> : vector<64xf32>
    %reduce_sum3A_60 = vector.multi_reduction <add>, %div3A_58, %reduce_sum3A_59 [0] : vector<2048x64xf32> to vector<64xf32>
    %broadcast_in_dim3A_61 = vector.shape_cast %reduce_sum3A_60 : vector<64xf32> to vector<1x64xf32>
    %mul3A = arith.constant 4.8828125E-4 : f32
    %mul3A_62 = vector.broadcast %mul3A : f32 to vector<1x64xf32>
    %mul3A_63 = arith.mulf %broadcast_in_dim3A_61, %mul3A_62 : vector<1x64xf32>
    %concatenate3A_64 = tpu.concatenate %broadcast_in_dim3A_23, %broadcast_in_dim3A_39 in 0 : vector<2048x1xi32>, vector<2048x1xi32> -> vector<4096x1xi32>
    %iota3A_65 = tpu.iota {dimensions = array<i32: 1>} : vector<4096x64xi32>
    %eq3A_66 = vector.broadcast %concatenate3A_64 : vector<4096x1xi32> to vector<4096x64xi32>
    %eq3A_67 = arith.cmpi eq, %iota3A_65, %eq3A_66 : vector<4096x64xi32>
    %convert_element_type3A = arith.extui %eq3A_67 : vector<4096x64xi1> to vector<4096x64xi32>
    %convert_element_type3A_68 = arith.sitofp %convert_element_type3A : vector<4096x64xi32> to vector<4096x64xf32>
    %broadcast_in_dim3A_69 = arith.constant 0.000000e+00 : f32
    %broadcast_in_dim3A_70 = vector.broadcast %broadcast_in_dim3A_69 : f32 to vector<1x64xf32>
    %slice3A_71 = vector.extract_strided_slice %convert_element_type3A_68 {offsets = [0, 0], sizes = [4095, 64], strides = [1, 1]} : vector<4096x64xf32> to vector<4095x64xf32>
    %concatenate3A_72 = tpu.concatenate %broadcast_in_dim3A_70, %slice3A_71 in 0 : vector<1x64xf32>, vector<4095x64xf32> -> vector<4096x64xf32>
    %add3A_73 = arith.addf %convert_element_type3A_68, %concatenate3A_72 : vector<4096x64xf32>
    %broadcast_in_dim3A_74 = arith.constant 0.000000e+00 : f32
    %broadcast_in_dim3A_75 = vector.broadcast %broadcast_in_dim3A_74 : f32 to vector<2x64xf32>
    %slice3A_76 = vector.extract_strided_slice %add3A_73 {offsets = [0, 0], sizes = [4094, 64], strides = [1, 1]} : vector<4096x64xf32> to vector<4094x64xf32>
    %concatenate3A_77 = tpu.concatenate %broadcast_in_dim3A_75, %slice3A_76 in 0 : vector<2x64xf32>, vector<4094x64xf32> -> vector<4096x64xf32>
    %add3A_78 = arith.addf %add3A_73, %concatenate3A_77 : vector<4096x64xf32>
    %broadcast_in_dim3A_79 = arith.constant 0.000000e+00 : f32
    %broadcast_in_dim3A_80 = vector.broadcast %broadcast_in_dim3A_79 : f32 to vector<4x64xf32>
    %slice3A_81 = vector.extract_strided_slice %add3A_78 {offsets = [0, 0], sizes = [4092, 64], strides = [1, 1]} : vector<4096x64xf32> to vector<4092x64xf32>
    %concatenate3A_82 = tpu.concatenate %broadcast_in_dim3A_80, %slice3A_81 in 0 : vector<4x64xf32>, vector<4092x64xf32> -> vector<4096x64xf32>
    %add3A_83 = arith.addf %add3A_78, %concatenate3A_82 : vector<4096x64xf32>
    %broadcast_in_dim3A_84 = arith.constant 0.000000e+00 : f32
    %broadcast_in_dim3A_85 = vector.broadcast %broadcast_in_dim3A_84 : f32 to vector<8x64xf32>
    %slice3A_86 = vector.extract_strided_slice %add3A_83 {offsets = [0, 0], sizes = [4088, 64], strides = [1, 1]} : vector<4096x64xf32> to vector<4088x64xf32>
    %concatenate3A_87 = tpu.concatenate %broadcast_in_dim3A_85, %slice3A_86 in 0 : vector<8x64xf32>, vector<4088x64xf32> -> vector<4096x64xf32>
    %add3A_88 = arith.addf %add3A_83, %concatenate3A_87 : vector<4096x64xf32>
    %broadcast_in_dim3A_89 = arith.constant 0.000000e+00 : f32
    %broadcast_in_dim3A_90 = vector.broadcast %broadcast_in_dim3A_89 : f32 to vector<16x64xf32>
    %slice3A_91 = vector.extract_strided_slice %add3A_88 {offsets = [0, 0], sizes = [4080, 64], strides = [1, 1]} : vector<4096x64xf32> to vector<4080x64xf32>
    %concatenate3A_92 = tpu.concatenate %broadcast_in_dim3A_90, %slice3A_91 in 0 : vector<16x64xf32>, vector<4080x64xf32> -> vector<4096x64xf32>
    %add3A_93 = arith.addf %add3A_88, %concatenate3A_92 : vector<4096x64xf32>
    %broadcast_in_dim3A_94 = arith.constant 0.000000e+00 : f32
    %broadcast_in_dim3A_95 = vector.broadcast %broadcast_in_dim3A_94 : f32 to vector<32x64xf32>
    %slice3A_96 = vector.extract_strided_slice %add3A_93 {offsets = [0, 0], sizes = [4064, 64], strides = [1, 1]} : vector<4096x64xf32> to vector<4064x64xf32>
    %concatenate3A_97 = tpu.concatenate %broadcast_in_dim3A_95, %slice3A_96 in 0 : vector<32x64xf32>, vector<4064x64xf32> -> vector<4096x64xf32>
    %add3A_98 = arith.addf %add3A_93, %concatenate3A_97 : vector<4096x64xf32>
    %broadcast_in_dim3A_99 = arith.constant 0.000000e+00 : f32
    %broadcast_in_dim3A_100 = vector.broadcast %broadcast_in_dim3A_99 : f32 to vector<64x64xf32>
    %slice3A_101 = vector.extract_strided_slice %add3A_98 {offsets = [0, 0], sizes = [4032, 64], strides = [1, 1]} : vector<4096x64xf32> to vector<4032x64xf32>
    %concatenate3A_102 = tpu.concatenate %broadcast_in_dim3A_100, %slice3A_101 in 0 : vector<64x64xf32>, vector<4032x64xf32> -> vector<4096x64xf32>
    %add3A_103 = arith.addf %add3A_98, %concatenate3A_102 : vector<4096x64xf32>
    %broadcast_in_dim3A_104 = arith.constant 0.000000e+00 : f32
    %broadcast_in_dim3A_105 = vector.broadcast %broadcast_in_dim3A_104 : f32 to vector<128x64xf32>
    %slice3A_106 = vector.extract_strided_slice %add3A_103 {offsets = [0, 0], sizes = [3968, 64], strides = [1, 1]} : vector<4096x64xf32> to vector<3968x64xf32>
    %concatenate3A_107 = tpu.concatenate %broadcast_in_dim3A_105, %slice3A_106 in 0 : vector<128x64xf32>, vector<3968x64xf32> -> vector<4096x64xf32>
    %add3A_108 = arith.addf %add3A_103, %concatenate3A_107 : vector<4096x64xf32>
    %broadcast_in_dim3A_109 = arith.constant 0.000000e+00 : f32
    %broadcast_in_dim3A_110 = vector.broadcast %broadcast_in_dim3A_109 : f32 to vector<256x64xf32>
    %slice3A_111 = vector.extract_strided_slice %add3A_108 {offsets = [0, 0], sizes = [3840, 64], strides = [1, 1]} : vector<4096x64xf32> to vector<3840x64xf32>
    %concatenate3A_112 = tpu.concatenate %broadcast_in_dim3A_110, %slice3A_111 in 0 : vector<256x64xf32>, vector<3840x64xf32> -> vector<4096x64xf32>
    %add3A_113 = arith.addf %add3A_108, %concatenate3A_112 : vector<4096x64xf32>
    %broadcast_in_dim3A_114 = arith.constant 0.000000e+00 : f32
    %broadcast_in_dim3A_115 = vector.broadcast %broadcast_in_dim3A_114 : f32 to vector<512x64xf32>
    %slice3A_116 = vector.extract_strided_slice %add3A_113 {offsets = [0, 0], sizes = [3584, 64], strides = [1, 1]} : vector<4096x64xf32> to vector<3584x64xf32>
    %concatenate3A_117 = tpu.concatenate %broadcast_in_dim3A_115, %slice3A_116 in 0 : vector<512x64xf32>, vector<3584x64xf32> -> vector<4096x64xf32>
    %add3A_118 = arith.addf %add3A_113, %concatenate3A_117 : vector<4096x64xf32>
    %broadcast_in_dim3A_119 = arith.constant 0.000000e+00 : f32
    %broadcast_in_dim3A_120 = vector.broadcast %broadcast_in_dim3A_119 : f32 to vector<1024x64xf32>
    %slice3A_121 = vector.extract_strided_slice %add3A_118 {offsets = [0, 0], sizes = [3072, 64], strides = [1, 1]} : vector<4096x64xf32> to vector<3072x64xf32>
    %concatenate3A_122 = tpu.concatenate %broadcast_in_dim3A_120, %slice3A_121 in 0 : vector<1024x64xf32>, vector<3072x64xf32> -> vector<4096x64xf32>
    %add3A_123 = arith.addf %add3A_118, %concatenate3A_122 : vector<4096x64xf32>
    %broadcast_in_dim3A_124 = arith.constant 0.000000e+00 : f32
    %broadcast_in_dim3A_125 = vector.broadcast %broadcast_in_dim3A_124 : f32 to vector<2048x64xf32>
    %slice3A_126 = vector.extract_strided_slice %add3A_123 {offsets = [0, 0], sizes = [2048, 64], strides = [1, 1]} : vector<4096x64xf32> to vector<2048x64xf32>
    %concatenate3A_127 = tpu.concatenate %broadcast_in_dim3A_125, %slice3A_126 in 0 : vector<2048x64xf32>, vector<2048x64xf32> -> vector<4096x64xf32>
    %add3A_128 = arith.addf %add3A_123, %concatenate3A_127 : vector<4096x64xf32>
    %slice3A_129 = vector.extract_strided_slice %add3A_128 {offsets = [4095, 0], sizes = [1, 64], strides = [1, 1]} : vector<4096x64xf32> to vector<1x64xf32>
    %mul3A_130 = arith.mulf %slice3A_129, %mul3A_63 : vector<1x64xf32>
    %reduce_sum3A_131 = vector.shape_cast %mul3A_130 : vector<1x64xf32> to vector<1x1x64xf32>
    %reduce_sum3A_132 = arith.constant dense<0.000000e+00> : vector<1xf32>
    %reduce_sum3A_133 = vector.multi_reduction <add>, %reduce_sum3A_131, %reduce_sum3A_132 [1, 2] : vector<1x1x64xf32> to vector<1xf32>
    %reduce_sum3A_134 = vector.shape_cast %reduce_sum3A_133 : vector<1xf32> to vector<1x1x1xf32>
    %reduce_sum3A_135 = vector.extract %reduce_sum3A_134[0, 0, 0] : f32 from vector<1x1x1xf32>
    %broadcast_in_dim3A_136 = vector.broadcast %reduce_sum3A_135 : f32 to vector<1x1xf32>
    %mul3A_137 = arith.constant 3.125000e-02 : f32
    %mul3A_138 = vector.broadcast %mul3A_137 : f32 to vector<1x1xf32>
    %mul3A_139 = arith.mulf %broadcast_in_dim3A_136, %mul3A_138 : vector<1x1xf32>
    %swap3A_140 = arith.constant 0 : index
    %swap3A_141 = arith.constant 0 : index
    %swap3A_142 = vector.load %arg5[%swap3A_140, %swap3A_141] : memref<1x1xf32, #tpu.memory_space<vmem>>, vector<1x1xf32>
    tpu.vector_store %arg5[%swap3A_140, %swap3A_141], %mul3A_139 {strides = array<i32>} : memref<1x1xf32, #tpu.memory_space<vmem>>, vector<1x1xf32>,
    %sub3A_143 = arith.subf %add3A_128, %convert_element_type3A_68 : vector<4096x64xf32>
    %mul3A_144 = arith.mulf %sub3A_143, %convert_element_type3A_68 : vector<4096x64xf32>
    %reduce_sum3A_145 = arith.constant dense<0.000000e+00> : vector<4096xf32>
    %reduce_sum3A_146 = vector.multi_reduction <add>, %mul3A_144, %reduce_sum3A_145 [1] : vector<4096x64xf32> to vector<4096xf32>
    %broadcast_in_dim3A_147 = vector.shape_cast %reduce_sum3A_146 : vector<4096xf32> to vector<4096x1xf32>
    %convert_element_type3A_148 = arith.fptosi %slice3A_129 : vector<1x64xf32> to vector<1x64xi32>
    %add3A_149 = arith.constant 127 : i32
    %add3A_150 = vector.broadcast %add3A_149 : i32 to vector<1x64xi32>
    %add3A_151 = arith.addi %convert_element_type3A_148, %add3A_150 : vector<1x64xi32>
    %shift_right_arithmetic3A = arith.constant 7 : i32
    %shift_right_arithmetic3A_152 = vector.broadcast %shift_right_arithmetic3A : i32 to vector<1x64xi32>
    %shift_right_arithmetic3A_153 = arith.shrsi %add3A_151, %shift_right_arithmetic3A_152 : vector<1x64xi32>
    %max3A = arith.constant 1 : i32
    %max3A_154 = vector.broadcast %max3A : i32 to vector<1x64xi32>
    %max3A_155 = arith.maxsi %shift_right_arithmetic3A_153, %max3A_154 : vector<1x64xi32>
    %iota3A_156 = tpu.iota {dimensions = array<i32: 0>} : vector<64x64xi32>
    %iota3A_157 = tpu.iota {dimensions = array<i32: 1>} : vector<64x64xi32>
    %lt3A = arith.cmpi slt, %iota3A_156, %iota3A_157 : vector<64x64xi32>
    %convert_element_type3A_158 = arith.extui %lt3A : vector<64x64xi1> to vector<64x64xi32>
    %convert_element_type3A_159 = arith.sitofp %convert_element_type3A_158 : vector<64x64xi32> to vector<64x64xf32>
    %convert_element_type3A_160 = arith.sitofp %max3A_155 : vector<1x64xi32> to vector<1x64xf32>
    %dot_general3A_161 = arith.constant dense<0.000000e+00> : vector<1x64xf32>
    %dot_general3A_162 = tpu.matmul %convert_element_type3A_160, %convert_element_type3A_159, %dot_general3A_161 {dimension_numbers = #tpu.dot_dimension_numbers<[1], [0], [0], [1], [0, 0, 1, 1], [], []>, transpose_lhs_hint = false} : vector<1x64xf32>, vector<64x64xf32>, vector<1x64xf32> -> vector<1x64xf32>
    %mul3A_163 = arith.constant 1.280000e+02 : f32
    %mul3A_164 = vector.broadcast %mul3A_163 : f32 to vector<1x64xf32>
    %mul3A_165 = arith.mulf %dot_general3A_162, %mul3A_164 : vector<1x64xf32>
    %mul3A_166 = vector.broadcast %mul3A_165 : vector<1x64xf32> to vector<4096x64xf32>
    %mul3A_167 = arith.mulf %convert_element_type3A_68, %mul3A_166 : vector<4096x64xf32>
    %reduce_sum3A_168 = arith.constant dense<0.000000e+00> : vector<4096xf32>
    %reduce_sum3A_169 = vector.multi_reduction <add>, %mul3A_167, %reduce_sum3A_168 [1] : vector<4096x64xf32> to vector<4096xf32>
    %broadcast_in_dim3A_170 = vector.shape_cast %reduce_sum3A_169 : vector<4096xf32> to vector<4096x1xf32>
    %add3A_171 = arith.addf %broadcast_in_dim3A_147, %broadcast_in_dim3A_170 : vector<4096x1xf32>
    %convert_element_type3A_172 = arith.fptosi %add3A_171 : vector<4096x1xf32> to vector<4096x1xi32>
    %swap3A_173 = arith.constant 0 : index
    %swap3A_174 = arith.constant 0 : index
    %swap3A_175 = vector.load %arg2[%swap3A_173, %swap3A_174] : memref<4096x1xi32, #tpu.memory_space<vmem>>, vector<4096x1xi32>
    tpu.vector_store %arg2[%swap3A_173, %swap3A_174], %convert_element_type3A_172 {strides = array<i32>} : memref<4096x1xi32, #tpu.memory_space<vmem>>, vector<4096x1xi32>,
    %iota3A_176 = tpu.iota {dimensions = array<i32: 0>} : vector<128x64xi32>
    %convert_element_type3A_177 = arith.fptosi %dot_general3A_162 : vector<1x64xf32> to vector<1x64xi32>
    %ge3A = vector.broadcast %convert_element_type3A_177 : vector<1x64xi32> to vector<128x64xi32>
    %ge3A_178 = arith.cmpi sge, %iota3A_176, %ge3A : vector<128x64xi32>
    %convert_element_type3A_179 = arith.extui %ge3A_178 : vector<128x64xi1> to vector<128x64xi32>
    %reduce_sum3A_180 = arith.constant dense<0> : vector<128xi32>
    %reduce_sum3A_181 = vector.multi_reduction <add>, %convert_element_type3A_179, %reduce_sum3A_180 [1] : vector<128x64xi32> to vector<128xi32>
    %broadcast_in_dim3A_182 = vector.shape_cast %reduce_sum3A_181 : vector<128xi32> to vector<128x1xi32>
    %sub3A_183 = arith.constant 1 : i32
    %sub3A_184 = vector.broadcast %sub3A_183 : i32 to vector<128x1xi32>
    %sub3A_185 = arith.subi %broadcast_in_dim3A_182, %sub3A_184 : vector<128x1xi32>
    %swap3A_186 = arith.constant 0 : index
    %swap3A_187 = arith.constant 0 : index
    %swap3A_188 = vector.load %arg4[%swap3A_186, %swap3A_187] : memref<128x1xi32, #tpu.memory_space<vmem>>, vector<128x1xi32>
    tpu.vector_store %arg4[%swap3A_186, %swap3A_187], %sub3A_185 {strides = array<i32>} : memref<128x1xi32, #tpu.memory_space<vmem>>, vector<128x1xi32>,
    %reduce_sum3A_189 = vector.shape_cast %max3A_155 : vector<1x64xi32> to vector<1x1x64xi32>
    %reduce_sum3A_190 = arith.constant dense<0> : vector<1xi32>
    %reduce_sum3A_191 = vector.multi_reduction <add>, %reduce_sum3A_189, %reduce_sum3A_190 [1, 2] : vector<1x1x64xi32> to vector<1xi32>
    %reduce_sum3A_192 = vector.shape_cast %reduce_sum3A_191 : vector<1xi32> to vector<1x1x1xi32>
    %reduce_sum3A_193 = vector.extract %reduce_sum3A_192[0, 0, 0] : i32 from vector<1x1x1xi32>
    %broadcast_in_dim3A_194 = vector.broadcast %reduce_sum3A_193 : i32 to vector<1x1xi32>
    %swap3A_195 = arith.constant 96 : index
    %swap3A_196 = arith.constant 0 : index
    %swap3A_197 = vector.load %arg4[%swap3A_195, %swap3A_196] : memref<128x1xi32, #tpu.memory_space<vmem>>, vector<1x1xi32>
    tpu.vector_store %arg4[%swap3A_195, %swap3A_196], %broadcast_in_dim3A_194 {strides = array<i32>} : memref<128x1xi32, #tpu.memory_space<vmem>>, vector<1x1xi32>,
    return
  }
}

module attributes {stable_mosaic.version = 14 : i64} {
  func.func @_shared_body(%arg0: i32, %arg1: memref<256x768xf32, #tpu.memory_space<vmem>>, %arg2: memref<1024x768xf32, #tpu.memory_space<vmem>>, %arg3: memref<1024x768xf32, #tpu.memory_space<vmem>>, %arg4: memref<768x1024xf32, #tpu.memory_space<vmem>>, %arg5: memref<256x768xf32, #tpu.memory_space<vmem>>) attributes {dimension_semantics = [#tpu.dimension_semantics<arbitrary>], iteration_bounds = array<i64: 8>, scalar_prefetch = 0 : i64, scratch_operands = 0 : i64, tpu.core_type = #tpu.core_type<tc>, window_params = [{transform_indices = @transform_0, window_bounds = array<i64: 256, 768>}, {pipeline_mode = #tpu.pipeline_mode<synchronous>, transform_indices = @transform_1, window_bounds = array<i64: 1024, 768>}, {pipeline_mode = #tpu.pipeline_mode<synchronous>, transform_indices = @transform_2, window_bounds = array<i64: 1024, 768>}, {pipeline_mode = #tpu.pipeline_mode<synchronous>, transform_indices = @transform_3, window_bounds = array<i64: 768, 1024>}, {transform_indices = @transform_4, window_bounds = array<i64: 256, 768>}]} {
    %get3A = arith.constant 0 : index
    %get3A_0 = arith.constant 0 : index
    %get3A_1 = vector.load %arg1[%get3A, %get3A_0] : memref<256x768xf32, #tpu.memory_space<vmem>>, vector<256x768xf32>
    %get3A_2 = arith.constant 0 : index
    %get3A_3 = arith.constant 0 : index
    %get3A_4 = vector.load %arg2[%get3A_2, %get3A_3] : memref<1024x768xf32, #tpu.memory_space<vmem>>, vector<1024x768xf32>
    %dot_general3A = arith.constant dense<0.000000e+00> : vector<256x1024xf32>
    %dot_general3A_5 = tpu.matmul %get3A_1, %get3A_4, %dot_general3A {dimension_numbers = #tpu.dot_dimension_numbers<[1], [1], [0], [0], [0, 0, 1, 0], [], []>, transpose_lhs_hint = false} : vector<256x768xf32>, vector<1024x768xf32>, vector<256x1024xf32> -> vector<256x1024xf32>
    %get3A_6 = arith.constant 0 : index
    %get3A_7 = arith.constant 0 : index
    %get3A_8 = vector.load %arg3[%get3A_6, %get3A_7] : memref<1024x768xf32, #tpu.memory_space<vmem>>, vector<1024x768xf32>
    %dot_general3A_9 = arith.constant dense<0.000000e+00> : vector<256x1024xf32>
    %dot_general3A_10 = tpu.matmul %get3A_1, %get3A_8, %dot_general3A_9 {dimension_numbers = #tpu.dot_dimension_numbers<[1], [1], [0], [0], [0, 0, 1, 0], [], []>, transpose_lhs_hint = false} : vector<256x768xf32>, vector<1024x768xf32>, vector<256x1024xf32> -> vector<256x1024xf32>
    %mul3A = arith.mulf %dot_general3A_5, %dot_general3A_10 : vector<256x1024xf32>
    %neg3A = arith.constant 0.000000e+00 : f32
    %neg3A_11 = vector.broadcast %neg3A : f32 to vector<256x1024xf32>
    %neg3A_12 = arith.subf %neg3A_11, %dot_general3A_5 : vector<256x1024xf32>
    %exp3A = math.exp %neg3A_12 : vector<256x1024xf32>
    %add3A = arith.constant 1.000000e+00 : f32
    %add3A_13 = vector.broadcast %add3A : f32 to vector<256x1024xf32>
    %add3A_14 = arith.addf %add3A_13, %exp3A : vector<256x1024xf32>
    %div3A = arith.divf %mul3A, %add3A_14 : vector<256x1024xf32>
    %get3A_15 = arith.constant 0 : index
    %get3A_16 = arith.constant 0 : index
    %get3A_17 = vector.load %arg4[%get3A_15, %get3A_16] : memref<768x1024xf32, #tpu.memory_space<vmem>>, vector<768x1024xf32>
    %dot_general3A_18 = arith.constant dense<0.000000e+00> : vector<256x768xf32>
    %dot_general3A_19 = tpu.matmul %div3A, %get3A_17, %dot_general3A_18 {dimension_numbers = #tpu.dot_dimension_numbers<[1], [1], [0], [0], [0, 0, 1, 0], [], []>, transpose_lhs_hint = false} : vector<256x1024xf32>, vector<768x1024xf32>, vector<256x768xf32> -> vector<256x768xf32>
    %swap3A = arith.constant 0 : index
    %swap3A_20 = arith.constant 0 : index
    %swap3A_21 = vector.load %arg5[%swap3A, %swap3A_20] : memref<256x768xf32, #tpu.memory_space<vmem>>, vector<256x768xf32>
    tpu.vector_store %arg5[%swap3A, %swap3A_20], %dot_general3A_19 {strides = array<i32>} : memref<256x768xf32, #tpu.memory_space<vmem>>, vector<256x768xf32>,
    return
  }
  func.func @transform_0(%arg0: i32) -> (i32, i32) {
    %c0_i32 = arith.constant 0 : i32
    %c0_i32_0 = arith.constant 0 : i32
    return %arg0, %c0_i32 : i32, i32
  }
  func.func @transform_1(%arg0: i32) -> (i32, i32) {
    %c0_i32 = arith.constant 0 : i32
    %c0_i32_0 = arith.constant 0 : i32
    %c0_i32_1 = arith.constant 0 : i32
    return %c0_i32, %c0_i32_0 : i32, i32
  }
  func.func @transform_2(%arg0: i32) -> (i32, i32) {
    %c0_i32 = arith.constant 0 : i32
    %c0_i32_0 = arith.constant 0 : i32
    %c0_i32_1 = arith.constant 0 : i32
    return %c0_i32, %c0_i32_0 : i32, i32
  }
  func.func @transform_3(%arg0: i32) -> (i32, i32) {
    %c0_i32 = arith.constant 0 : i32
    %c0_i32_0 = arith.constant 0 : i32
    %c0_i32_1 = arith.constant 0 : i32
    return %c0_i32, %c0_i32_0 : i32, i32
  }
  func.func @transform_4(%arg0: i32) -> (i32, i32) {
    %c0_i32 = arith.constant 0 : i32
    %c0_i32_0 = arith.constant 0 : i32
    return %arg0, %c0_i32 : i32, i32
  }
}

module attributes {stable_mosaic.version = 14 : i64} {
  func.func @_combine_body(%arg0: i32, %arg1: memref<256x768xf32, #tpu.memory_space<vmem>>, %arg2: memref<256x1xf32, #tpu.memory_space<vmem>>, %arg3: memref<256x1xf32, #tpu.memory_space<vmem>>, %arg4: memref<256x384xi32, #tpu.memory_space<vmem>>, %arg5: memref<256x384xi32, #tpu.memory_space<vmem>>, %arg6: memref<256x768xf32, #tpu.memory_space<vmem>>) attributes {dimension_semantics = [#tpu.dimension_semantics<arbitrary>], iteration_bounds = array<i64: 8>, scalar_prefetch = 0 : i64, scratch_operands = 0 : i64, tpu.core_type = #tpu.core_type<tc>, window_params = [{transform_indices = @transform_0, window_bounds = array<i64: 256, 768>}, {transform_indices = @transform_1, window_bounds = array<i64: 256, 1>}, {transform_indices = @transform_2, window_bounds = array<i64: 256, 1>}, {transform_indices = @transform_3, window_bounds = array<i64: 256, 384>}, {transform_indices = @transform_4, window_bounds = array<i64: 256, 384>}, {transform_indices = @transform_5, window_bounds = array<i64: 256, 768>}]} {
    %get3A = arith.constant 0 : index
    %get3A_0 = arith.constant 0 : index
    %get3A_1 = vector.load %arg4[%get3A, %get3A_0] : memref<256x384xi32, #tpu.memory_space<vmem>>, vector<256x384xi32>
    %shift_left3A = arith.constant 16 : i32
    %shift_left3A_2 = vector.broadcast %shift_left3A : i32 to vector<256x384xi32>
    %shift_left3A_3 = arith.shli %get3A_1, %shift_left3A_2 : vector<256x384xi32>
    %bitcast_convert_type3A = tpu.bitcast %shift_left3A_3 : vector<256x384xi32> -> vector<256x384xf32>
    %and3A = arith.constant -65536 : i32
    %and3A_4 = vector.broadcast %and3A : i32 to vector<256x384xi32>
    %and3A_5 = arith.andi %get3A_1, %and3A_4 : vector<256x384xi32>
    %bitcast_convert_type3A_6 = tpu.bitcast %and3A_5 : vector<256x384xi32> -> vector<256x384xf32>
    %get3A_7 = arith.constant 0 : index
    %get3A_8 = arith.constant 0 : index
    %get3A_9 = vector.load %arg5[%get3A_7, %get3A_8] : memref<256x384xi32, #tpu.memory_space<vmem>>, vector<256x384xi32>
    %shift_left3A_10 = arith.constant 16 : i32
    %shift_left3A_11 = vector.broadcast %shift_left3A_10 : i32 to vector<256x384xi32>
    %shift_left3A_12 = arith.shli %get3A_9, %shift_left3A_11 : vector<256x384xi32>
    %bitcast_convert_type3A_13 = tpu.bitcast %shift_left3A_12 : vector<256x384xi32> -> vector<256x384xf32>
    %and3A_14 = arith.constant -65536 : i32
    %and3A_15 = vector.broadcast %and3A_14 : i32 to vector<256x384xi32>
    %and3A_16 = arith.andi %get3A_9, %and3A_15 : vector<256x384xi32>
    %bitcast_convert_type3A_17 = tpu.bitcast %and3A_16 : vector<256x384xi32> -> vector<256x384xf32>
    %concatenate3A = tpu.concatenate %bitcast_convert_type3A, %bitcast_convert_type3A_6 in 1 : vector<256x384xf32>, vector<256x384xf32> -> vector<256x768xf32>
    %concatenate3A_18 = tpu.concatenate %bitcast_convert_type3A_13, %bitcast_convert_type3A_17 in 1 : vector<256x384xf32>, vector<256x384xf32> -> vector<256x768xf32>
    %get3A_19 = arith.constant 0 : index
    %get3A_20 = arith.constant 0 : index
    %get3A_21 = vector.load %arg1[%get3A_19, %get3A_20] : memref<256x768xf32, #tpu.memory_space<vmem>>, vector<256x768xf32>
    %get3A_22 = arith.constant 0 : index
    %get3A_23 = arith.constant 0 : index
    %get3A_24 = vector.load %arg2[%get3A_22, %get3A_23] : memref<256x1xf32, #tpu.memory_space<vmem>>, vector<256x1xf32>
    %mul3A = vector.broadcast %get3A_24 : vector<256x1xf32> to vector<256x768xf32>
    %mul3A_25 = arith.mulf %mul3A, %concatenate3A : vector<256x768xf32>
    %add3A = arith.addf %get3A_21, %mul3A_25 : vector<256x768xf32>
    %get3A_26 = arith.constant 0 : index
    %get3A_27 = arith.constant 0 : index
    %get3A_28 = vector.load %arg3[%get3A_26, %get3A_27] : memref<256x1xf32, #tpu.memory_space<vmem>>, vector<256x1xf32>
    %mul3A_29 = vector.broadcast %get3A_28 : vector<256x1xf32> to vector<256x768xf32>
    %mul3A_30 = arith.mulf %mul3A_29, %concatenate3A_18 : vector<256x768xf32>
    %add3A_31 = arith.addf %add3A, %mul3A_30 : vector<256x768xf32>
    %swap3A = arith.constant 0 : index
    %swap3A_32 = arith.constant 0 : index
    %swap3A_33 = vector.load %arg6[%swap3A, %swap3A_32] : memref<256x768xf32, #tpu.memory_space<vmem>>, vector<256x768xf32>
    tpu.vector_store %arg6[%swap3A, %swap3A_32], %add3A_31 {strides = array<i32>} : memref<256x768xf32, #tpu.memory_space<vmem>>, vector<256x768xf32>,
    return
  }
  func.func @transform_0(%arg0: i32) -> (i32, i32) {
    %c0_i32 = arith.constant 0 : i32
    %c0_i32_0 = arith.constant 0 : i32
    return %arg0, %c0_i32 : i32, i32
  }
  func.func @transform_1(%arg0: i32) -> (i32, i32) {
    %c0_i32 = arith.constant 0 : i32
    %c0_i32_0 = arith.constant 0 : i32
    return %arg0, %c0_i32 : i32, i32
  }
  func.func @transform_2(%arg0: i32) -> (i32, i32) {
    %add3A = arith.constant 8 : i32
    %add3A_0 = arith.addi %arg0, %add3A : i32
    %c0_i32 = arith.constant 0 : i32
    %c0_i32_1 = arith.constant 0 : i32
    return %add3A_0, %c0_i32 : i32, i32
  }
  func.func @transform_3(%arg0: i32) -> (i32, i32) {
    %c0_i32 = arith.constant 0 : i32
    %c0_i32_0 = arith.constant 0 : i32
    return %arg0, %c0_i32 : i32, i32
  }
  func.func @transform_4(%arg0: i32) -> (i32, i32) {
    %add3A = arith.constant 8 : i32
    %add3A_0 = arith.addi %arg0, %add3A : i32
    %c0_i32 = arith.constant 0 : i32
    %c0_i32_1 = arith.constant 0 : i32
    return %add3A_0, %c0_i32 : i32, i32
  }
  func.func @transform_5(%arg0: i32) -> (i32, i32) {
    %c0_i32 = arith.constant 0 : i32
    %c0_i32_0 = arith.constant 0 : i32
    return %arg0, %c0_i32 : i32, i32
  }
}

</mosaic_0001>

<sc_bundles>
// kernel: kernel.11.cloned.1.call-start
scs
__scs_entry_jumppad:
0x0: {  	(pc) =	sbr.rel $0x88, $3  }
0x1: {  	(tag) =	ssettag $0x0;
	lr =	simm.s32 $0x1  }
0x2: {  	[smem:$0x3F99] =	sst lr;
	_ =	strace $0xD0000000  }
0x3: {  	_ = 	snop  }
0x4: {  	_ = 	snop  }
0x5: {  	_ = 	snop  }
0x6: {  	_ = 	snop  }
0x7: {  	_ = 	snop  }
__scs_overlays_trampoline_lowered:
0x8: {  	[smem:$0x3FA8] =	sst s0  }
0x9: {  	[smem:$0x3FA9] =	sst s1  }
0xa: {  	[smem:$0x3FAA] =	sst s2  }
0xb: {  	[smem:$0x3FAB] =	sst s3  }
0xc: {  	[smem:$0x3FAC] =	sst s4  }
0xd: {  	[smem:$0x3FAD] =	sst s5  }
0xe: {  	[smem:$0x3FAE] =	sst s6  }
0xf: {  	[smem:$0x3FAF] =	sst s7  }
0x10: {  	[smem:$0x3FB0] =	sst s8  }
0x11: {  	[smem:$0x3FB1] =	sst s9;
	s0 =	simm.s32 @!p0 $0x0  }
0x12: {  	s1 =	sld [smem:$0x3F97];
	s0 =	simm.s32 @p0 $0x1  }
0x13: {  	[smem:$0x3FB2] =	sst s0;
	s0 =	simm.s32 @!p1 $0x0  }
0x14: {  	s2 =	sld [smem:$0x3F96];
	s0 =	simm.s32 @p1 $0x1  }
0x15: {  	[smem:$0x3FB3] =	sst s0;
	s0 =	simm.s32 @!p2 $0x0  }
0x16: {  	s3 =	sld [smem:$0x3FDB];
	s0 =	simm.s32 @p2 $0x1  }
0x17: {  	s4 =	simm.s32 $0x1BF5;
	[smem:$0x3FB5] =	sst s0  }
0x18: {  	s0 =	sld [smem:$0x3F98];
	_ =	swait.ge [sflag:s4], $0x0  }
0x19: {  	s7 =	sld [smem:$0x3F99]  }
0x1a: {  	s8 =	sadd.s32 $0xFFFFE003, lr  }
0x1b: {  	s9 =	sadd.s32 $0xFFFFFEF7, lr;
	s5 =	simm.s32 $0xFFFFFFFF;
	p2 =	slt.u32 s8, $0xFFFFF086  }
0x1c: {  	p1 =	slt.u32 s9, $0xF7A;
	s5 =	simm.s32 @!p2 $0x0  }
0x1d: {  	s5 =	simm.s32 @p1 $0x1;
	p0 =	seq.s32 s7, s2  }
0x1e: {  	s7 =	smul.u32 @!p0 $0xF7A, s2;
	p2 =	seq.s32 @!p0 s5, $0x0  }
0x1f: {  	s9 =	smul.u32 $0xF7A, s1;
	s8 =	simm.s32 @!p0 $0x1BF5;
	p2 =	por !p2, p0  }
0x20: {  	[sflag:s8] =	ssyncset.s32 @!p0 $0xFFFFF086;
	s6 =	sadd.s32 @!p0 s3, s7;
	s7 =	simm.s32 @!p0 $0x108  }
0x21: {  	s3 =	sadd.s32 s3, s9;
	s6 =	sadd.s32 @!p0 $0x88, s6;
	s7 =	simm.s32 @p2 $0x1082  }
0x22: {  	[simem:s7], [sflag:s8] =	dma.local @!p0 [hbm:s6], $0xF7A  }
0x23: {  	s9 =	sor.u32 $0xD0000000, s2;
	s6 =	simm.s32 $0x108;
	_ =	swait.ge @!p0 [sflag:s8], $0x0  }
0x24: {  	s3 =	sadd.s32 $0x88, s3;
	s6 =	simm.s32 @!p1 $0x1082;
	[sflag:s4] =	ssyncset.s32 $0xFFFFF086  }
0x25: {  	[simem:s6], [sflag:s4] =	dma.local [hbm:s3], $0xF7A  }
0x26: {  	[smem:$0x3F99] =	sst s1;
	(tag) =	ssettag s2;
	_ =	strace s9  }
0x27: {  	s1 =	sld [smem:$0x3FA9]  }
0x28: {  	s2 =	sld [smem:$0x3FAA]  }
0x29: {  	s4 =	sld [smem:$0x3FAC]  }
0x2a: {  	p0 =	seq.s32 s5, $0x0;
	s5 =	sld [smem:$0x3FAD]  }
0x2b: {  	s6 =	sld [smem:$0x3FAE]  }
0x2c: {  	s7 =	sld [smem:$0x3FAF]  }
0x2d: {  	s3 =	simm.s32 $0x108;
	s8 =	sld [smem:$0x3FB0]  }
0x2e: {  	s3 =	simm.s32 @!p0 $0x1082;
	s9 =	sld [smem:$0x3FB1]  }
0x2f: {  	lr =	sadd.s32 s0, s3;
	s0 =	sld [smem:$0x3FA8]  }
0x30: {  	s3 =	sld [smem:$0x3FAB]  }
0x31: {  	[smem:$0x3FB4] =	sst s10  }
0x32: {  	s10 =	sld [smem:$0x3FB2];
	_ =	sdelay $0x3  }
0x33: {  	p0 =	seq.s32 s10, $0x1;
	s10 =	sld [smem:$0x3FB4];
	_ =	sdelay $0x3  }
0x34: {  	[smem:$0x3FB4] =	sst s10  }
0x35: {  	s10 =	sld [smem:$0x3FB3];
	_ =	sdelay $0x3  }
0x36: {  	p1 =	seq.s32 s10, $0x1;
	s10 =	sld [smem:$0x3FB4];
	_ =	sdelay $0x3  }
0x37: {  	[smem:$0x3FB4] =	sst s10  }
0x38: {  	s10 =	sld [smem:$0x3FB5]  }
0x39: {  	_ = 	snop;
	(pc) =	sbr.ind lr, $3  }
0x3a: {  	_ = 	snop  }
0x3b: {  	_ = 	snop  }
0x3c: {  	p2 =	seq.s32 s10, $0x1;
	s10 =	sld [smem:$0x3FB4]  }
0x3d: {  	_ =	shalt  }
0x3e: {  	_ =	shalt  }
0x3f: {  	_ =	shalt  }
0x40: {  	_ =	shalt  }
0x41: {  	_ =	shalt  }
0x42: {  	_ =	shalt  }
0x43: {  	_ =	shalt  }
0x44: {  	_ =	shalt  }
0x45: {  	_ =	shalt  }
0x46: {  	_ =	shalt  }
0x47: {  	_ =	shalt  }
0x48: {  	_ =	shalt  }
0x49: {  	_ =	shalt  }
0x4a: {  	_ =	shalt  }
0x4b: {  	_ =	shalt  }
0x4c: {  	_ =	shalt  }
0x4d: {  	_ =	shalt  }
0x4e: {  	_ =	shalt  }
0x4f: {  	_ =	shalt  }
0x50: {  	_ =	shalt  }
0x51: {  	_ =	shalt  }
0x52: {  	_ =	shalt  }
0x53: {  	_ =	shalt  }
0x54: {  	_ =	shalt  }
0x55: {  	_ =	shalt  }
0x56: {  	_ =	shalt  }
0x57: {  	_ =	shalt  }
0x58: {  	_ =	shalt  }
0x59: {  	_ =	shalt  }
0x5a: {  	_ =	shalt  }
0x5b: {  	_ =	shalt  }
0x5c: {  	_ =	shalt  }
0x5d: {  	_ =	shalt  }
0x5e: {  	_ =	shalt  }
0x5f: {  	_ =	shalt  }
0x60: {  	_ =	shalt  }
0x61: {  	_ =	shalt  }
0x62: {  	_ =	shalt  }
0x63: {  	_ =	shalt  }
0x64: {  	_ =	shalt  }
0x65: {  	_ =	shalt  }
0x66: {  	_ =	shalt  }
0x67: {  	_ =	shalt  }
0x68: {  	_ =	shalt  }
0x69: {  	_ =	shalt  }
0x6a: {  	_ =	shalt  }
0x6b: {  	_ =	shalt  }
0x6c: {  	_ =	shalt  }
0x6d: {  	_ =	shalt  }
0x6e: {  	_ =	shalt  }
0x6f: {  	_ =	shalt  }
0x70: {  	_ =	shalt  }
0x71: {  	_ =	shalt  }
0x72: {  	_ =	shalt  }
0x73: {  	_ =	shalt  }
0x74: {  	_ =	shalt  }
0x75: {  	_ =	shalt  }
0x76: {  	_ =	shalt  }
0x77: {  	_ =	shalt  }
0x78: {  	_ =	shalt  }
0x79: {  	_ =	shalt  }
0x7a: {  	_ =	shalt  }
0x7b: {  	_ =	shalt  }
0x7c: {  	_ =	shalt  }
0x7d: {  	_ =	shalt  }
0x7e: {  	_ =	shalt  }
0x7f: {  	_ =	shalt  }
0x80: {  	_ =	shalt  }
0x81: {  	_ =	shalt  }
0x82: {  	_ =	shalt  }
0x83: {  	_ =	shalt  }
0x84: {  	_ =	shalt  }
0x85: {  	_ =	shalt  }
0x86: {  	_ =	shalt  }
0x87: {  	_ =	shalt  }
.Lfunc_end0:
.L_simem_size_0:
called_computation.1_lowered:
.L_overlay_start_0:
0x88: {  	s2 =	sld [smem:$0x3FD9]  }
0x89: {  	s3 =	sld [smem:$0x3FFE];
	_ =	sdelay $0x1  }
0x8a: {  	s1 =	srdreg.scid  }
0x8b: {  	s0 =	sand.u32 $0x1, s1  }
0x8c: {  	s14 =	sshll.u32 s0, $0xA;
	s2 =	sadd.s32 s3, s2  }
0x8d: {  	s2 =	sadd.s32 s2, s14  }
0x8e: {  	[smem:$0x3FC0] =	sst s2  }
0x8f: {  	_ = 	snop  }
0x90: {  	s2 =	sld [smem:$0x3FD0];
	_ =	sdelay $0x2  }
0x91: {  	s15 =	simm.s32 $0xA;
	s4 =	simm.s32 $0x10  }
0x92: {  	[smem:s4], [sflag:s15] =	dma.local [hbm:s2], $0x1  }
0x93: {  	_ =	swait.eq [sflag:s15], $0x1  }
0x94: {  	[sflag:s15] =	ssyncset.done $0x0  }
0x95: {  	[sflag:s15] =	ssyncadd.s32 $0xFFFFFFFF  }
0x96: {  	s16 =	sld [smem:$0x10];
	(tm) =	ssettm $0x1  }
0x97: {  	s17 =	sld [smem:$0x3FFB];
	_ =	sdelay $0x3  }
0x98: {  	_ =	strace s17  }
0x99: {  	s3 =	sld [smem:$0x3FFC];
	_ =	sdelay $0x3  }
0x9a: {  	_ =	strace s3  }
0x9b: {  	s3 =	sld [smem:$0x3FFD];
	_ =	sdelay $0x3  }
0x9c: {  	_ =	strace s3  }
0x9d: {  	_ =	strace $0x8FFFFFFF  }
0x9e: {  	s18 =	sld [smem:$0x3FDB];
	_ =	sdelay $0x1  }
0x9f: {  	s19 =	simm.s32 $_scs_section_size  }
0xa0: {  	s5 =	simm.s32 $_size__tile_overlayer_lowered;
	s6 =	simm.s32 $_tile_overlayer_lowered  }
0xa1: {  	s22 =	simm.s32 $0x1BFF;
	s21 =	sshll.u32 s6, $0x1;
	s3 =	sadd.s32 s19, s18  }
0xa2: {  	s7 =	simm.s32 $0x0;
	s20 =	sshll.u32 s5, $0x1;
	s5 =	sadd.s32 s21, s3  }
0xa3: {  	[timem:s7], [sflag:s22] =	dma.local [hbm:s5], s20  }
0xa4: {  	_ =	swait.ge [sflag:s22], s20  }
0xa5: {  	s4 =	ssub.s32 $0x0, s20;
	[sflag:s22] =	ssyncset.done $0x0  }
0xa6: {  	[sflag:s22] =	ssyncadd.s32 s4;
	_ =	sdelay $0x1  }
0xa7: {  	s23 =	simm.s32 $0x1B8B  }
0xa8: {  	_ =	swait.ge [sflag:s23], $0x1  }
0xa9: {  	[sflag:s23] =	ssyncset.done $0x0  }
0xaa: {  	s25 =	simm.s32 $0x1B8E;
	s24 =	sld [smem:$0x3FFE];
	[sflag:s23] =	ssyncadd.s32 $0xFFFFFFFF  }
0xab: {  	s26 =	simm.s32 $execute0_lowered;
	[smem:$0x3FD2] =	sst s25  }
0xac: {  	s5 =	sshll.u32 s26, $0x1;
	_ =	strace $0x80000049;
	[dreg:$0x1] =	wrdreg $0xFFFFFFFF  }
0xad: {  	s28 =	simm.s32 $_size_execute0_lowered;
	s3 =	sadd.s32 s3, s5;
	[dreg:$0x0] =	wrdreg $0x0  }
0xae: {  	s5 =	sshll.u32 s28, $0x1;
	[dreg:$0x2] =	wrdreg s3  }
0xaf: {  	[dreg:$0x3] =	wrdreg s5  }
0xb0: {  	[dreg:$0x4] =	wrdreg $0xC0  }
0xb1: {  	_ =	task [dreg:s7], $0x5FFFF  }
0xb2: {  	[dreg:$0x1] =	wrdreg $0xFFFFFFFF  }
0xb3: {  	[dreg:$0x0] =	wrdreg $0x60  }
0xb4: {  	[dreg:$0x2] =	wrdreg s24  }
0xb5: {  	[dreg:$0x3] =	wrdreg s16  }
0xb6: {  	[dreg:$0x4] =	wrdreg $0x9  }
0xb7: {  	_ =	task.clear_ibuf [dreg:s7], $0x5FFFF;
	_ =	strace $0x90000049  }
0xb8: {  	s29 =	simm.s32 $0x9;
	_ =	strace $0x8000004B  }
0xb9: {  	_ =	swait.ge [sflag:s29], $0x1  }
0xba: {  	[sflag:s29] =	ssyncadd.s32 $0xFFFFFFFF  }
0xbb: {  	_ =	strace $0x9000004B  }
0xbc: {  	_ =	sfence  }
0xbd: {  	s30 =	sld [smem:$0x0];
	_ =	sdelay $0x2  }
0xbe: {  	s31 =	sshll.u32 s1, $0xD;
	s1 =	sshrl.u32 s1, $0x2  }
0xbf: {  	s3 =	sand.u32 $0x4000, s31;
	s1 =	sadd.s32 s1, s30  }
0xc0: {  	s0 =	sor.u32 s3, s0;
	s1 =	sshll.u32 s1, $0x11  }
0xc1: {  	s0 =	sor.u32 s1, s0  }
0xc2: {  	s0 =	sadd.s32 $0x8F2B, s0  }
0xc3: {  	[sflag:s0] =	ssyncadd.remote.s32 $0x1  }
0xc4: {  	_ =	sfence.sel $0xFFFF  }
0xc5: {  	[dreg:$0x0] =	wrdreg $0xFFFFFFFF;
	(pc) =	sbr.abs _section_cstart, $3  }
0xc6: {  	[dreg:$0x1] =	wrdreg $0xFFFFFFFF  }
0xc7: {  	_ =	task.clear_ibuf [dreg:s7], $0x2FFFF;
	_ =	strace $0x9FFFFFFF  }
0xc8: {  	(tm) =	ssettm $0x7FFFFFFF  }
0xc9: {  	_ =	shalt  }
tec
execute0_lowered:
.L_overlay_start_1:
0x0: {  	(tag) =	ssettag $0x1  }
0x1: {  	s1 =	srdreg.scid;
	s4 =	rddreg [dreg:$0x0]  }
0x2: {  	s0 =	stileid.u32;
	s3 =	rddreg [dreg:$0x1]  }
0x3: {  	s2 =	simm.s32 $0x0;
	s18 =	simm.s32 $0x880;
	s19 =	simm.s32 $0xC80  }
0x4: {  	s20 =	simm.s32 $0x1480;
	s21 =	simm.s32 $0x1880;
	s23 =	simm.s32 $0x2080  }
0x5: {  	s24 =	simm.s32 $0x2480;
	s25 =	simm.s32 $0x2C80;
	s26 =	simm.s32 $0x3080  }
0x6: {  	s7 =	simm.s32 $0x80;
	s9 =	simm.s32 $0x3C80;
	s10 =	simm.s32 $0x4480  }
0x7: {  	s11 =	simm.s32 $0x4880;
	s12 =	simm.s32 $0x5080;
	[smem:$0x7FF] =	sst s2  }
0x8: {  	s13 =	simm.s32 $0x5480;
	_ =	strace $0x8000004A;
	[dreg:$0x5] =	wrdreg s18  }
0x9: {  	s14 =	simm.s32 $0x5C80;
	s15 =	simm.s32 $0x6080;
	[dreg:$0x6] =	wrdreg s19  }
0xa: {  	s16 =	simm.s32 $0x6880;
	s17 =	simm.s32 $0x6C80;
	[dreg:$0x7] =	wrdreg s20  }
0xb: {  	s28 =	simm.s32 $0xA880;
	s29 =	simm.s32 $0xB080;
	[dreg:$0x8] =	wrdreg s21  }
0xc: {  	s30 =	simm.s32 $0xB480;
	s31 =	simm.s32 $0xBC80;
	[dreg:$0x9] =	wrdreg s23  }
0xd: {  	s1 =	sand.u32 $0x1, s1;
	s5 =	sshll.u32 s0, $0x5;
	[dreg:$0xa] =	wrdreg s24  }
0xe: {  	s6 =	sshll.u32 s1, $0x4;
	s1 =	ssub.s32 $0x2, s1;
	[dreg:$0xb] =	wrdreg s25  }
0xf: {  	[dreg:$0xc] =	wrdreg s26;
	s18 =	simm.s32 $0x7480;
	s19 =	simm.s32 $0x7880  }
0x10: {  	s20 =	simm.s32 $0x8080;
	s21 =	simm.s32 $0x8480;
	s23 =	simm.s32 $0x9080  }
0x11: {  	s24 =	simm.s32 $0x9880;
	s25 =	simm.s32 $0x9C80;
	s5 =	sor.u32 s6, s5  }
0x12: {  	s22 =	sshrl.u32 s1, $0x1;
	s6 =	sadd.s32 s5, s4;
	s5 =	smul.u32 $0x180, s5  }
0x13: {  	s26 =	simm.s32 $0xA480;
	s1 =	ssub.s32 s1, s22;
	s6 =	sadd.s32 $0x1800, s6  }
0x14: {  	v2 =	vlaneseq.u32;
	s22 =	simm.s32 $0x8C80;
	[dreg:$0x3] =	wrdreg s6;
	s3 =	sadd.s32 s3, s5  }
0x15: {  	vm0 =	vmmov $0xffff;
	vm1 =	vmmov $0xff;
	v1 =	vshrl.u32 v2, $0x3;
	s5 =	smax.u32 s1, $0x1;
	s6 =	simm.s32 $0x2;
	s1 =	simm.s32 $0x1  }
0x16: {  	v0 =	vand.u32 $0x7, v2;
	v2 =	vor.u32 $0x8, v2;
	v1 =	vmul.u32 $0x8, v1;
	[dreg:$0x4] =	wrdreg s3;
	s3 =	sadd.s32 $0x1A00, s4;
	s4 =	sadd.s32 $0x1B00, s4  }
.LBB2_1:
0x17: {  	s0 =	rddreg [dreg:$0x3]  }
0x18: {  	[tilespmem:s2], [sflag:$0x2] =	stream.linear.gather [hbm4b:s0+s2], $0x80, $0x38;
	[tilespmem:$0xC080] =	vst v63  }
0x19: {  	_ =	swait.ge [sflag:s6], $0x80  }
0x1a: {  	[sflag:s6] =	ssyncset.done $0x0  }
0x1b: {  	[sflag:s6] =	ssyncadd.s32 $0xFFFFFF80  }
0x1c: {  	v3 =	vld [tilespmem:$0x0];
	_ =	sdelay $0x4  }
0x1d: {  	v4 =	vshrl.u32 v3, $0x3  }
0x1e: {  	v4 =	vmul.u32 $0x18, v4  }
0x1f: {  	v3 =	vand.u32 $0x7, v3  }
0x20: {  	v3 =	vor.u32 v3, v4  }
0x21: {  	v4 =	vperm.xlane v3, v0;
	_ =	sdelay $0x1  }
0x22: {  	v4 =	vadd.s32 v1, v4;
	_ =	sdelay $0x1  }
0x23: {  	v3 =	vperm.xlane v3, v2;
	_ =	sdelay $0x1  }
0x24: {  	v3 =	vadd.s32 v1, v3  }
0x25: {  	[tilespmem:s7], [sflag:$0x1] =	stream.indirect_vreg.gather [hbm4b:s3+s2], $0x80, v4, vm0, $0xb8;
	[tilespmem:$0xC080] =	vst v63  }
0x26: {  	s0 =	rddreg [dreg:$0x5]  }
0x27: {  	[tilespmem:s0], [sflag:$0x1] =	stream.indirect_vreg.gather [hbm4b:s4+s2], $0x80, v4, vm1, $0xb8;
	[tilespmem:$0xC080] =	vst v63  }
0x28: {  	s8 =	rddreg [dreg:$0x6]  }
0x29: {  	[tilespmem:s8], [sflag:$0x1] =	stream.indirect_vreg.gather [hbm4b:s3+s2], $0x80, v3, vm0, $0xb8;
	[tilespmem:$0xC080] =	vst v63  }
0x2a: {  	s0 =	rddreg [dreg:$0x7]  }
0x2b: {  	[tilespmem:s0], [sflag:$0x1] =	stream.indirect_vreg.gather [hbm4b:s4+s2], $0x80, v3, vm1, $0xb8;
	[tilespmem:$0xC080] =	vst v63  }
0x2c: {  	v3 =	vld [tilespmem:$0x10];
	_ =	sdelay $0x4  }
0x2d: {  	v57 =	vshrl.u32 v3, $0x3  }
0x2e: {  	v4 =	vmul.u32 $0x18, v57  }
0x2f: {  	v3 =	vand.u32 $0x7, v3  }
0x30: {  	v3 =	vor.u32 v3, v4  }
0x31: {  	v4 =	vperm.xlane v3, v0;
	_ =	sdelay $0x1  }
0x32: {  	v4 =	vadd.s32 v1, v4;
	_ =	sdelay $0x1  }
0x33: {  	v3 =	vperm.xlane v3, v2;
	_ =	sdelay $0x1  }
0x34: {  	s0 =	rddreg [dreg:$0x8];
	v3 =	vadd.s32 v1, v3  }
0x35: {  	[tilespmem:s0], [sflag:$0x1] =	stream.indirect_vreg.gather [hbm4b:s3+s2], $0x80, v4, vm0, $0xb8;
	[tilespmem:$0xC080] =	vst v63  }
0x36: {  	s8 =	rddreg [dreg:$0x9]  }
0x37: {  	[tilespmem:s8], [sflag:$0x1] =	stream.indirect_vreg.gather [hbm4b:s4+s2], $0x80, v4, vm1, $0xb8;
	[tilespmem:$0xC080] =	vst v63  }
0x38: {  	s0 =	rddreg [dreg:$0xa]  }
0x39: {  	[tilespmem:s0], [sflag:$0x1] =	stream.indirect_vreg.gather [hbm4b:s3+s2], $0x80, v3, vm0, $0xb8;
	[tilespmem:$0xC080] =	vst v63  }
0x3a: {  	s8 =	rddreg [dreg:$0xb]  }
0x3b: {  	[tilespmem:s8], [sflag:$0x1] =	stream.indirect_vreg.gather [hbm4b:s4+s2], $0x80, v3, vm1, $0xb8;
	[tilespmem:$0xC080] =	vst v63  }
0x3c: {  	v3 =	vld [tilespmem:$0x20];
	_ =	sdelay $0x4  }
0x3d: {  	v58 =	vshrl.u32 v3, $0x3  }
0x3e: {  	v4 =	vmul.u32 $0x18, v58  }
0x3f: {  	v3 =	vand.u32 $0x7, v3  }
0x40: {  	v3 =	vor.u32 v3, v4  }
0x41: {  	v4 =	vperm.xlane v3, v0;
	_ =	sdelay $0x1  }
0x42: {  	v4 =	vadd.s32 v1, v4;
	_ =	sdelay $0x1  }
0x43: {  	v3 =	vperm.xlane v3, v2;
	_ =	sdelay $0x1  }
0x44: {  	s8 =	rddreg [dreg:$0xc];
	v3 =	vadd.s32 v1, v3  }
0x45: {  	[tilespmem:s8], [sflag:$0x1] =	stream.indirect_vreg.gather [hbm4b:s3+s2], $0x80, v4, vm0, $0xb8;
	[tilespmem:$0xC080] =	vst v63  }
0x46: {  	s8 =	simm.s32 $0x3880  }
0x47: {  	[tilespmem:s8], [sflag:$0x1] =	stream.indirect_vreg.gather [hbm4b:s4+s2], $0x80, v4, vm1, $0xb8;
	[tilespmem:$0xC080] =	vst v63  }
0x48: {  	_ = 	snop  }
0x49: {  	[tilespmem:s9], [sflag:$0x1] =	stream.indirect_vreg.gather [hbm4b:s3+s2], $0x80, v3, vm0, $0xb8;
	[tilespmem:$0xC080] =	vst v63  }
0x4a: {  	_ = 	snop  }
0x4b: {  	[tilespmem:s10], [sflag:$0x1] =	stream.indirect_vreg.gather [hbm4b:s4+s2], $0x80, v3, vm1, $0xb8;
	[tilespmem:$0xC080] =	vst v63  }
0x4c: {  	v3 =	vld [tilespmem:$0x30];
	_ =	sdelay $0x4  }
0x4d: {  	v59 =	vshrl.u32 v3, $0x3  }
0x4e: {  	v4 =	vmul.u32 $0x18, v59  }
0x4f: {  	v3 =	vand.u32 $0x7, v3  }
0x50: {  	v3 =	vor.u32 v3, v4  }
0x51: {  	v4 =	vperm.xlane v3, v0;
	_ =	sdelay $0x1  }
0x52: {  	v4 =	vadd.s32 v1, v4;
	_ =	sdelay $0x1  }
0x53: {  	v3 =	vperm.xlane v3, v2;
	_ =	sdelay $0x1  }
0x54: {  	v3 =	vadd.s32 v1, v3  }
0x55: {  	[tilespmem:s11], [sflag:$0x1] =	stream.indirect_vreg.gather [hbm4b:s3+s2], $0x80, v4, vm0, $0xb8;
	[tilespmem:$0xC080] =	vst v63  }
0x56: {  	_ = 	snop  }
0x57: {  	[tilespmem:s12], [sflag:$0x1] =	stream.indirect_vreg.gather [hbm4b:s4+s2], $0x80, v4, vm1, $0xb8;
	[tilespmem:$0xC080] =	vst v63  }
0x58: {  	_ = 	snop  }
0x59: {  	[tilespmem:s13], [sflag:$0x1] =	stream.indirect_vreg.gather [hbm4b:s3+s2], $0x80, v3, vm0, $0xb8;
	[tilespmem:$0xC080] =	vst v63  }
0x5a: {  	_ = 	snop  }
0x5b: {  	[tilespmem:s14], [sflag:$0x1] =	stream.indirect_vreg.gather [hbm4b:s4+s2], $0x80, v3, vm1, $0xb8;
	[tilespmem:$0xC080] =	vst v63  }
0x5c: {  	v3 =	vld [tilespmem:$0x40];
	_ =	sdelay $0x4  }
0x5d: {  	v60 =	vshrl.u32 v3, $0x3  }
0x5e: {  	v4 =	vmul.u32 $0x18, v60  }
0x5f: {  	v3 =	vand.u32 $0x7, v3  }
0x60: {  	v3 =	vor.u32 v3, v4  }
0x61: {  	v4 =	vperm.xlane v3, v0;
	_ =	sdelay $0x1  }
0x62: {  	v4 =	vadd.s32 v1, v4;
	_ =	sdelay $0x1  }
0x63: {  	v3 =	vperm.xlane v3, v2;
	_ =	sdelay $0x1  }
0x64: {  	v3 =	vadd.s32 v1, v3  }
0x65: {  	[tilespmem:s15], [sflag:$0x1] =	stream.indirect_vreg.gather [hbm4b:s3+s2], $0x80, v4, vm0, $0xb8;
	[tilespmem:$0xC080] =	vst v63  }
0x66: {  	_ = 	snop  }
0x67: {  	[tilespmem:s16], [sflag:$0x1] =	stream.indirect_vreg.gather [hbm4b:s4+s2], $0x80, v4, vm1, $0xb8;
	[tilespmem:$0xC080] =	vst v63  }
0x68: {  	_ = 	snop  }
0x69: {  	[tilespmem:s17], [sflag:$0x1] =	stream.indirect_vreg.gather [hbm4b:s3+s2], $0x80, v3, vm0, $0xb8;
	[tilespmem:$0xC080] =	vst v63  }
0x6a: {  	_ = 	snop  }
0x6b: {  	[tilespmem:s18], [sflag:$0x1] =	stream.indirect_vreg.gather [hbm4b:s4+s2], $0x80, v3, vm1, $0xb8;
	[tilespmem:$0xC080] =	vst v63  }
0x6c: {  	v3 =	vld [tilespmem:$0x50];
	_ =	sdelay $0x4  }
0x6d: {  	v61 =	vshrl.u32 v3, $0x3  }
0x6e: {  	v4 =	vmul.u32 $0x18, v61  }
0x6f: {  	v3 =	vand.u32 $0x7, v3  }
0x70: {  	v3 =	vor.u32 v3, v4  }
0x71: {  	v4 =	vperm.xlane v3, v0;
	_ =	sdelay $0x1  }
0x72: {  	v4 =	vadd.s32 v1, v4;
	_ =	sdelay $0x1  }
0x73: {  	v3 =	vperm.xlane v3, v2;
	_ =	sdelay $0x1  }
0x74: {  	v3 =	vadd.s32 v1, v3  }
0x75: {  	[tilespmem:s19], [sflag:$0x1] =	stream.indirect_vreg.gather [hbm4b:s3+s2], $0x80, v4, vm0, $0xb8;
	[tilespmem:$0xC080] =	vst v63  }
0x76: {  	_ = 	snop  }
0x77: {  	[tilespmem:s20], [sflag:$0x1] =	stream.indirect_vreg.gather [hbm4b:s4+s2], $0x80, v4, vm1, $0xb8;
	[tilespmem:$0xC080] =	vst v63  }
0x78: {  	_ = 	snop  }
0x79: {  	[tilespmem:s21], [sflag:$0x1] =	stream.indirect_vreg.gather [hbm4b:s3+s2], $0x80, v3, vm0, $0xb8;
	[tilespmem:$0xC080] =	vst v63  }
0x7a: {  	_ = 	snop  }
0x7b: {  	[tilespmem:s22], [sflag:$0x1] =	stream.indirect_vreg.gather [hbm4b:s4+s2], $0x80, v3, vm1, $0xb8;
	[tilespmem:$0xC080] =	vst v63  }
0x7c: {  	v3 =	vld [tilespmem:$0x60];
	_ =	sdelay $0x4  }
0x7d: {  	v62 =	vshrl.u32 v3, $0x3  }
0x7e: {  	v4 =	vmul.u32 $0x18, v62  }
0x7f: {  	v3 =	vand.u32 $0x7, v3  }
0x80: {  	v3 =	vor.u32 v3, v4  }
0x81: {  	v4 =	vperm.xlane v3, v0;
	_ =	sdelay $0x1  }
0x82: {  	v4 =	vadd.s32 v1, v4;
	_ =	sdelay $0x1  }
0x83: {  	v3 =	vperm.xlane v3, v2;
	_ =	sdelay $0x1  }
0x84: {  	v3 =	vadd.s32 v1, v3  }
0x85: {  	[tilespmem:s23], [sflag:$0x1] =	stream.indirect_vreg.gather [hbm4b:s3+s2], $0x80, v4, vm0, $0xb8;
	[tilespmem:$0xC080] =	vst v63  }
0x86: {  	_ = 	snop  }
0x87: {  	[tilespmem:s24], [sflag:$0x1] =	stream.indirect_vreg.gather [hbm4b:s4+s2], $0x80, v4, vm1, $0xb8;
	[tilespmem:$0xC080] =	vst v63  }
0x88: {  	_ = 	snop  }
0x89: {  	[tilespmem:s25], [sflag:$0x1] =	stream.indirect_vreg.gather [hbm4b:s3+s2], $0x80, v3, vm0, $0xb8;
	[tilespmem:$0xC080] =	vst v63  }
0x8a: {  	_ = 	snop  }
0x8b: {  	[tilespmem:s26], [sflag:$0x1] =	stream.indirect_vreg.gather [hbm4b:s4+s2], $0x80, v3, vm1, $0xb8;
	[tilespmem:$0xC080] =	vst v63  }
0x8c: {  	v3 =	vld [tilespmem:$0x70];
	_ =	sdelay $0x4  }
0x8d: {  	v63 =	vshrl.u32 v3, $0x3  }
0x8e: {  	v4 =	vmul.u32 $0x18, v63  }
0x8f: {  	v3 =	vand.u32 $0x7, v3  }
0x90: {  	v3 =	vor.u32 v3, v4  }
0x91: {  	v4 =	vperm.xlane v3, v0;
	_ =	sdelay $0x1  }
0x92: {  	v4 =	vadd.s32 v1, v4;
	_ =	sdelay $0x1  }
0x93: {  	v3 =	vperm.xlane v3, v2;
	_ =	sdelay $0x1  }
0x94: {  	v3 =	vadd.s32 v1, v3  }
0x95: {  	[tilespmem:s28], [sflag:$0x1] =	stream.indirect_vreg.gather [hbm4b:s3+s2], $0x80, v4, vm0, $0xb8;
	[tilespmem:$0xC080] =	vst v63  }
0x96: {  	_ = 	snop  }
0x97: {  	[tilespmem:s29], [sflag:$0x1] =	stream.indirect_vreg.gather [hbm4b:s4+s2], $0x80, v4, vm1, $0xb8;
	[tilespmem:$0xC080] =	vst v63  }
0x98: {  	_ = 	snop  }
0x99: {  	[tilespmem:s30], [sflag:$0x1] =	stream.indirect_vreg.gather [hbm4b:s3+s2], $0x80, v3, vm0, $0xb8;
	[tilespmem:$0xC080] =	vst v63  }
0x9a: {  	_ = 	snop  }
0x9b: {  	[tilespmem:s31], [sflag:$0x1] =	stream.indirect_vreg.gather [hbm4b:s4+s2], $0x80, v3, vm1, $0xb8;
	[tilespmem:$0xC080] =	vst v63  }
0x9c: {  	_ =	swait.ge [sflag:s1], $0xC000  }
0x9d: {  	p0 =	sne.s32 s5, $0x1;
	[sflag:s1] =	ssyncset.done $0x0  }
.Ltmp0:
0x9e: {  	s8 =	rddreg [dreg:$0x4];
	[sflag:s1] =	ssyncadd.s32 $0xFFFF4000;
	(pc) =	sbr.rel @p0 .LBB2_1-.Ltmp0, $4  }
0x9f: {  	[hbm4b:s8+s2] =	stream.linear.scatter [tilespmem:s7], [sflag:$0x2], $0xC000, $0x38;
	[tilespmem:$0xC080] =	vst v63  }
0xa0: {  	_ =	swait.ge [sflag:s6], $0xC000  }
0xa1: {  	[sflag:s6] =	ssyncset.done $0x0  }
0xa2: {  	s5 =	sadd.s32 $0xFFFFFFFF, s5;
	[sflag:s6] =	ssyncadd.s32 $0xFFFF4000  }
0xa3: {  	_ =	sfence.sel $0x180000  }
0xa4: {  	[bflag:$0x0] =	sbarrier.arrive $0xFFFF  }
0xa5: {  	_ =	strace $0x9000004A  }
0xa6: {  	s0 =	stileid.u32;
	[bflag:$0x2] =	sbarrier.arrive $0xFFFF  }
0xa7: {  	p0 =	sne.s32 s0, $0x0;
	s0 =	rddreg [dreg:$0x2]  }
0xa8: {  	s0 =	sadd.s32 @!p0 $0x100000, s0  }
0xa9: {  	[sflag:s0] =	ssyncadd.tile.s32 @!p0 $0x1;
	_ =	shalt  }
.Lfunc_end2:
_tile_overlayer_lowered:
.L_overlay_start_2:
0xaa: {  	(tag) =	ssettag $0x2  }
0xab: {  	s0 =	rddreg [dreg:$0x0];
	s2 =	stileid.u32  }
0xac: {  	s1 =	rddreg [dreg:$0x1];
	p0 =	sne.s32 s2, $0x0  }
0xad: {  	s3 =	rddreg [dreg:$0x2];
	[bflag:$0x3] =	sbarrier.arrive $0xFFFF;
	s2 =	simm.s32 @!p0 $0x1C02  }
0xae: {  	[timem:s3], [sflag:s2] =	dma.local @!p0 [hbm:s0], s1  }
0xaf: {  	s0 =	simm.s32 @!p0 $0x2  }
0xb0: {  	_ =	swait.ge @!p0 [sflag:s0], s1  }
0xb1: {  	s1 =	ssub.s32 @!p0 $0x0, s1;
	[sflag:s0] =	ssyncset.done @!p0 $0x0  }
0xb2: {  	[sflag:s0] =	ssyncadd.s32 @!p0 s1  }
0xb3: {  	[bflag:$0x3] =	sbarrier.arrive $0xFFFF  }
0xb4: {  	_ =	shalt  }

// kernel: kernel.8.cloned.1.call-start
scs
__scs_entry_jumppad:
0x0: {  	(pc) =	sbr.rel $0x88, $3  }
0x1: {  	(tag) =	ssettag $0x0;
	lr =	simm.s32 $0x1  }
0x2: {  	[smem:$0x3F99] =	sst lr;
	_ =	strace $0xD0000000  }
0x3: {  	_ = 	snop  }
0x4: {  	_ = 	snop  }
0x5: {  	_ = 	snop  }
0x6: {  	_ = 	snop  }
0x7: {  	_ = 	snop  }
__scs_overlays_trampoline_lowered:
0x8: {  	[smem:$0x3FA8] =	sst s0  }
0x9: {  	[smem:$0x3FA9] =	sst s1  }
0xa: {  	[smem:$0x3FAA] =	sst s2  }
0xb: {  	[smem:$0x3FAB] =	sst s3  }
0xc: {  	[smem:$0x3FAC] =	sst s4  }
0xd: {  	[smem:$0x3FAD] =	sst s5  }
0xe: {  	[smem:$0x3FAE] =	sst s6  }
0xf: {  	[smem:$0x3FAF] =	sst s7  }
0x10: {  	[smem:$0x3FB0] =	sst s8  }
0x11: {  	[smem:$0x3FB1] =	sst s9;
	s0 =	simm.s32 @!p0 $0x0  }
0x12: {  	s1 =	sld [smem:$0x3F97];
	s0 =	simm.s32 @p0 $0x1  }
0x13: {  	[smem:$0x3FB2] =	sst s0;
	s0 =	simm.s32 @!p1 $0x0  }
0x14: {  	s2 =	sld [smem:$0x3F96];
	s0 =	simm.s32 @p1 $0x1  }
0x15: {  	[smem:$0x3FB3] =	sst s0;
	s0 =	simm.s32 @!p2 $0x0  }
0x16: {  	s3 =	sld [smem:$0x3FDB];
	s0 =	simm.s32 @p2 $0x1  }
0x17: {  	s4 =	simm.s32 $0x1BF5;
	[smem:$0x3FB5] =	sst s0  }
0x18: {  	s0 =	sld [smem:$0x3F98];
	_ =	swait.ge [sflag:s4], $0x0  }
0x19: {  	s7 =	sld [smem:$0x3F99]  }
0x1a: {  	s8 =	sadd.s32 $0xFFFFE003, lr  }
0x1b: {  	s9 =	sadd.s32 $0xFFFFFEF7, lr;
	s5 =	simm.s32 $0xFFFFFFFF;
	p2 =	slt.u32 s8, $0xFFFFF086  }
0x1c: {  	p1 =	slt.u32 s9, $0xF7A;
	s5 =	simm.s32 @!p2 $0x0  }
0x1d: {  	s5 =	simm.s32 @p1 $0x1;
	p0 =	seq.s32 s7, s2  }
0x1e: {  	s7 =	smul.u32 @!p0 $0xF7A, s2;
	p2 =	seq.s32 @!p0 s5, $0x0  }
0x1f: {  	s9 =	smul.u32 $0xF7A, s1;
	s8 =	simm.s32 @!p0 $0x1BF5;
	p2 =	por !p2, p0  }
0x20: {  	[sflag:s8] =	ssyncset.s32 @!p0 $0xFFFFF086;
	s6 =	sadd.s32 @!p0 s3, s7;
	s7 =	simm.s32 @!p0 $0x108  }
0x21: {  	s3 =	sadd.s32 s3, s9;
	s6 =	sadd.s32 @!p0 $0x88, s6;
	s7 =	simm.s32 @p2 $0x1082  }
0x22: {  	[simem:s7], [sflag:s8] =	dma.local @!p0 [hbm:s6], $0xF7A  }
0x23: {  	s9 =	sor.u32 $0xD0000000, s2;
	s6 =	simm.s32 $0x108;
	_ =	swait.ge @!p0 [sflag:s8], $0x0  }
0x24: {  	s3 =	sadd.s32 $0x88, s3;
	s6 =	simm.s32 @!p1 $0x1082;
	[sflag:s4] =	ssyncset.s32 $0xFFFFF086  }
0x25: {  	[simem:s6], [sflag:s4] =	dma.local [hbm:s3], $0xF7A  }
0x26: {  	[smem:$0x3F99] =	sst s1;
	(tag) =	ssettag s2;
	_ =	strace s9  }
0x27: {  	s1 =	sld [smem:$0x3FA9]  }
0x28: {  	s2 =	sld [smem:$0x3FAA]  }
0x29: {  	s4 =	sld [smem:$0x3FAC]  }
0x2a: {  	p0 =	seq.s32 s5, $0x0;
	s5 =	sld [smem:$0x3FAD]  }
0x2b: {  	s6 =	sld [smem:$0x3FAE]  }
0x2c: {  	s7 =	sld [smem:$0x3FAF]  }
0x2d: {  	s3 =	simm.s32 $0x108;
	s8 =	sld [smem:$0x3FB0]  }
0x2e: {  	s3 =	simm.s32 @!p0 $0x1082;
	s9 =	sld [smem:$0x3FB1]  }
0x2f: {  	lr =	sadd.s32 s0, s3;
	s0 =	sld [smem:$0x3FA8]  }
0x30: {  	s3 =	sld [smem:$0x3FAB]  }
0x31: {  	[smem:$0x3FB4] =	sst s10  }
0x32: {  	s10 =	sld [smem:$0x3FB2];
	_ =	sdelay $0x3  }
0x33: {  	p0 =	seq.s32 s10, $0x1;
	s10 =	sld [smem:$0x3FB4];
	_ =	sdelay $0x3  }
0x34: {  	[smem:$0x3FB4] =	sst s10  }
0x35: {  	s10 =	sld [smem:$0x3FB3];
	_ =	sdelay $0x3  }
0x36: {  	p1 =	seq.s32 s10, $0x1;
	s10 =	sld [smem:$0x3FB4];
	_ =	sdelay $0x3  }
0x37: {  	[smem:$0x3FB4] =	sst s10  }
0x38: {  	s10 =	sld [smem:$0x3FB5]  }
0x39: {  	_ = 	snop;
	(pc) =	sbr.ind lr, $3  }
0x3a: {  	_ = 	snop  }
0x3b: {  	_ = 	snop  }
0x3c: {  	p2 =	seq.s32 s10, $0x1;
	s10 =	sld [smem:$0x3FB4]  }
0x3d: {  	_ =	shalt  }
0x3e: {  	_ =	shalt  }
0x3f: {  	_ =	shalt  }
0x40: {  	_ =	shalt  }
0x41: {  	_ =	shalt  }
0x42: {  	_ =	shalt  }
0x43: {  	_ =	shalt  }
0x44: {  	_ =	shalt  }
0x45: {  	_ =	shalt  }
0x46: {  	_ =	shalt  }
0x47: {  	_ =	shalt  }
0x48: {  	_ =	shalt  }
0x49: {  	_ =	shalt  }
0x4a: {  	_ =	shalt  }
0x4b: {  	_ =	shalt  }
0x4c: {  	_ =	shalt  }
0x4d: {  	_ =	shalt  }
0x4e: {  	_ =	shalt  }
0x4f: {  	_ =	shalt  }
0x50: {  	_ =	shalt  }
0x51: {  	_ =	shalt  }
0x52: {  	_ =	shalt  }
0x53: {  	_ =	shalt  }
0x54: {  	_ =	shalt  }
0x55: {  	_ =	shalt  }
0x56: {  	_ =	shalt  }
0x57: {  	_ =	shalt  }
0x58: {  	_ =	shalt  }
0x59: {  	_ =	shalt  }
0x5a: {  	_ =	shalt  }
0x5b: {  	_ =	shalt  }
0x5c: {  	_ =	shalt  }
0x5d: {  	_ =	shalt  }
0x5e: {  	_ =	shalt  }
0x5f: {  	_ =	shalt  }
0x60: {  	_ =	shalt  }
0x61: {  	_ =	shalt  }
0x62: {  	_ =	shalt  }
0x63: {  	_ =	shalt  }
0x64: {  	_ =	shalt  }
0x65: {  	_ =	shalt  }
0x66: {  	_ =	shalt  }
0x67: {  	_ =	shalt  }
0x68: {  	_ =	shalt  }
0x69: {  	_ =	shalt  }
0x6a: {  	_ =	shalt  }
0x6b: {  	_ =	shalt  }
0x6c: {  	_ =	shalt  }
0x6d: {  	_ =	shalt  }
0x6e: {  	_ =	shalt  }
0x6f: {  	_ =	shalt  }
0x70: {  	_ =	shalt  }
0x71: {  	_ =	shalt  }
0x72: {  	_ =	shalt  }
0x73: {  	_ =	shalt  }
0x74: {  	_ =	shalt  }
0x75: {  	_ =	shalt  }
0x76: {  	_ =	shalt  }
0x77: {  	_ =	shalt  }
0x78: {  	_ =	shalt  }
0x79: {  	_ =	shalt  }
0x7a: {  	_ =	shalt  }
0x7b: {  	_ =	shalt  }
0x7c: {  	_ =	shalt  }
0x7d: {  	_ =	shalt  }
0x7e: {  	_ =	shalt  }
0x7f: {  	_ =	shalt  }
0x80: {  	_ =	shalt  }
0x81: {  	_ =	shalt  }
0x82: {  	_ =	shalt  }
0x83: {  	_ =	shalt  }
0x84: {  	_ =	shalt  }
0x85: {  	_ =	shalt  }
0x86: {  	_ =	shalt  }
0x87: {  	_ =	shalt  }
.Lfunc_end0:
.L_simem_size_0:
called_computation_lowered:
.L_overlay_start_0:
0x88: {  	s2 =	sld [smem:$0x3FD9]  }
0x89: {  	s3 =	sld [smem:$0x3FFE];
	_ =	sdelay $0x1  }
0x8a: {  	s1 =	srdreg.scid  }
0x8b: {  	s0 =	sand.u32 $0x1, s1  }
0x8c: {  	s14 =	sshll.u32 s0, $0xA;
	s2 =	sadd.s32 s3, s2  }
0x8d: {  	s2 =	sadd.s32 s2, s14  }
0x8e: {  	[smem:$0x3FC0] =	sst s2  }
0x8f: {  	_ = 	snop  }
0x90: {  	s2 =	sld [smem:$0x3FD0];
	_ =	sdelay $0x2  }
0x91: {  	s15 =	simm.s32 $0xA;
	s4 =	simm.s32 $0x10  }
0x92: {  	[smem:s4], [sflag:s15] =	dma.local [hbm:s2], $0x1  }
0x93: {  	_ =	swait.eq [sflag:s15], $0x1  }
0x94: {  	[sflag:s15] =	ssyncset.done $0x0  }
0x95: {  	[sflag:s15] =	ssyncadd.s32 $0xFFFFFFFF  }
0x96: {  	s16 =	sld [smem:$0x10];
	(tm) =	ssettm $0x1  }
0x97: {  	s17 =	sld [smem:$0x3FFB];
	_ =	sdelay $0x3  }
0x98: {  	_ =	strace s17  }
0x99: {  	s3 =	sld [smem:$0x3FFC];
	_ =	sdelay $0x3  }
0x9a: {  	_ =	strace s3  }
0x9b: {  	s3 =	sld [smem:$0x3FFD];
	_ =	sdelay $0x3  }
0x9c: {  	_ =	strace s3  }
0x9d: {  	_ =	strace $0x8FFFFFFF  }
0x9e: {  	s18 =	sld [smem:$0x3FDB];
	_ =	sdelay $0x1  }
0x9f: {  	s19 =	simm.s32 $_scs_section_size  }
0xa0: {  	s5 =	simm.s32 $_size__tile_overlayer_lowered;
	s6 =	simm.s32 $_tile_overlayer_lowered  }
0xa1: {  	s22 =	simm.s32 $0x1BFF;
	s21 =	sshll.u32 s6, $0x1;
	s3 =	sadd.s32 s19, s18  }
0xa2: {  	s7 =	simm.s32 $0x0;
	s20 =	sshll.u32 s5, $0x1;
	s5 =	sadd.s32 s21, s3  }
0xa3: {  	[timem:s7], [sflag:s22] =	dma.local [hbm:s5], s20  }
0xa4: {  	_ =	swait.ge [sflag:s22], s20  }
0xa5: {  	s4 =	ssub.s32 $0x0, s20;
	[sflag:s22] =	ssyncset.done $0x0  }
0xa6: {  	[sflag:s22] =	ssyncadd.s32 s4;
	_ =	sdelay $0x1  }
0xa7: {  	s23 =	simm.s32 $0x1B8B  }
0xa8: {  	_ =	swait.ge [sflag:s23], $0x1  }
0xa9: {  	[sflag:s23] =	ssyncset.done $0x0  }
0xaa: {  	s25 =	simm.s32 $0x1B8E;
	s24 =	sld [smem:$0x3FFE];
	[sflag:s23] =	ssyncadd.s32 $0xFFFFFFFF  }
0xab: {  	s26 =	simm.s32 $execute0_lowered;
	[smem:$0x3FD2] =	sst s25  }
0xac: {  	s5 =	sshll.u32 s26, $0x1;
	_ =	strace $0x80000046;
	[dreg:$0x1] =	wrdreg $0xFFFFFFFF  }
0xad: {  	s28 =	simm.s32 $_size_execute0_lowered;
	s3 =	sadd.s32 s3, s5;
	[dreg:$0x0] =	wrdreg $0x0  }
0xae: {  	s5 =	sshll.u32 s28, $0x1;
	[dreg:$0x2] =	wrdreg s3  }
0xaf: {  	[dreg:$0x3] =	wrdreg s5  }
0xb0: {  	[dreg:$0x4] =	wrdreg $0xC0  }
0xb1: {  	_ =	task [dreg:s7], $0x5FFFF  }
0xb2: {  	[dreg:$0x1] =	wrdreg $0xFFFFFFFF  }
0xb3: {  	[dreg:$0x0] =	wrdreg $0x60  }
0xb4: {  	[dreg:$0x2] =	wrdreg s16  }
0xb5: {  	[dreg:$0x3] =	wrdreg s24  }
0xb6: {  	[dreg:$0x4] =	wrdreg $0x9  }
0xb7: {  	_ =	task.clear_ibuf [dreg:s7], $0x5FFFF;
	_ =	strace $0x90000046  }
0xb8: {  	s29 =	simm.s32 $0x9;
	_ =	strace $0x80000048  }
0xb9: {  	_ =	swait.ge [sflag:s29], $0x1  }
0xba: {  	[sflag:s29] =	ssyncadd.s32 $0xFFFFFFFF  }
0xbb: {  	_ =	strace $0x90000048  }
0xbc: {  	_ =	sfence  }
0xbd: {  	s30 =	sld [smem:$0x0];
	_ =	sdelay $0x2  }
0xbe: {  	s31 =	sshll.u32 s1, $0xD;
	s1 =	sshrl.u32 s1, $0x2  }
0xbf: {  	s3 =	sand.u32 $0x4000, s31;
	s1 =	sadd.s32 s1, s30  }
0xc0: {  	s0 =	sor.u32 s3, s0;
	s1 =	sshll.u32 s1, $0x11  }
0xc1: {  	s0 =	sor.u32 s1, s0  }
0xc2: {  	s0 =	sadd.s32 $0x8F2B, s0  }
0xc3: {  	[sflag:s0] =	ssyncadd.remote.s32 $0x1  }
0xc4: {  	_ =	sfence.sel $0xFFFF  }
0xc5: {  	[dreg:$0x0] =	wrdreg $0xFFFFFFFF;
	(pc) =	sbr.abs _section_cstart, $3  }
0xc6: {  	[dreg:$0x1] =	wrdreg $0xFFFFFFFF  }
0xc7: {  	_ =	task.clear_ibuf [dreg:s7], $0x2FFFF;
	_ =	strace $0x9FFFFFFF  }
0xc8: {  	(tm) =	ssettm $0x7FFFFFFF  }
0xc9: {  	_ =	shalt  }
tec
execute0_lowered:
.L_overlay_start_1:
0x0: {  	(tag) =	ssettag $0x1  }
0x1: {  	s1 =	srdreg.scid;
	s3 =	rddreg [dreg:$0x0]  }
0x2: {  	s0 =	stileid.u32;
	s5 =	rddreg [dreg:$0x1];
	s18 =	simm.s32 $0x880  }
0x3: {  	s19 =	simm.s32 $0xC80;
	s20 =	simm.s32 $0x1480;
	s21 =	simm.s32 $0x1880  }
0x4: {  	s23 =	simm.s32 $0x2080;
	s24 =	simm.s32 $0x2480;
	s25 =	simm.s32 $0x2C80  }
0x5: {  	s26 =	simm.s32 $0x3080;
	s7 =	simm.s32 $0x80;
	s9 =	simm.s32 $0x3C80  }
0x6: {  	s10 =	simm.s32 $0x4480;
	s11 =	simm.s32 $0x4880;
	s1 =	sand.u32 $0x1, s1  }
0x7: {  	s12 =	simm.s32 $0x5080;
	s2 =	sshll.u32 s0, $0x5;
	s4 =	sshll.u32 s1, $0x4  }
0x8: {  	s13 =	simm.s32 $0x5480;
	s4 =	sor.u32 s4, s2;
	s2 =	simm.s32 $0x0  }
0x9: {  	s14 =	simm.s32 $0x5C80;
	s15 =	simm.s32 $0x6080;
	[smem:$0x7FF] =	sst s2  }
0xa: {  	s16 =	simm.s32 $0x6880;
	_ =	strace $0x80000047;
	[dreg:$0x5] =	wrdreg s18  }
0xb: {  	s17 =	simm.s32 $0x6C80;
	s28 =	simm.s32 $0xA880;
	[dreg:$0x6] =	wrdreg s19  }
0xc: {  	s29 =	simm.s32 $0xB080;
	s30 =	simm.s32 $0xB480;
	[dreg:$0x7] =	wrdreg s20  }
0xd: {  	s31 =	simm.s32 $0xBC80;
	s1 =	ssub.s32 $0x2, s1;
	[dreg:$0x8] =	wrdreg s21  }
0xe: {  	s22 =	sshrl.u32 s1, $0x1;
	s6 =	sand.u32 $0xF0, s4;
	[dreg:$0x9] =	wrdreg s23  }
0xf: {  	s4 =	sadd.s32 s4, s5;
	s1 =	ssub.s32 s1, s22;
	[dreg:$0xa] =	wrdreg s24  }
0x10: {  	s22 =	simm.s32 $0x8C80;
	s6 =	smul.u32 $0x180, s6;
	[dreg:$0xb] =	wrdreg s25  }
0x11: {  	s4 =	sadd.s32 $0x1800, s4;
	[dreg:$0xc] =	wrdreg s26;
	s18 =	simm.s32 $0x7480  }
0x12: {  	s19 =	simm.s32 $0x7880;
	s20 =	simm.s32 $0x8080;
	s21 =	simm.s32 $0x8480  }
0x13: {  	s23 =	simm.s32 $0x9080;
	s24 =	simm.s32 $0x9880;
	s25 =	simm.s32 $0x9C80  }
0x14: {  	v2 =	vlaneseq.u32;
	s26 =	simm.s32 $0xA480;
	[dreg:$0x3] =	wrdreg s4;
	s3 =	sadd.s32 s3, s6  }
0x15: {  	vm0 =	vmmov $0xffff;
	vm1 =	vmmov $0xff;
	v1 =	vshrl.u32 v2, $0x3;
	s4 =	sadd.s32 $0x1B00, s5;
	s6 =	simm.s32 $0x2;
	[dreg:$0x4] =	wrdreg s3  }
0x16: {  	v0 =	vand.u32 $0x7, v2;
	v2 =	vor.u32 $0x8, v2;
	v1 =	vmul.u32 $0x8, v1;
	s3 =	sadd.s32 $0x1A00, s5;
	s5 =	smax.u32 s1, $0x1;
	s1 =	simm.s32 $0x1  }
.LBB2_1:
0x17: {  	s0 =	rddreg [dreg:$0x3]  }
0x18: {  	[tilespmem:s2], [sflag:$0x2] =	stream.linear.gather [hbm4b:s0+s2], $0x80, $0x38;
	[tilespmem:$0xC080] =	vst v63  }
0x19: {  	_ =	swait.ge [sflag:s6], $0x80  }
0x1a: {  	[sflag:s6] =	ssyncset.done $0x0  }
0x1b: {  	s8 =	rddreg [dreg:$0x4];
	[sflag:s6] =	ssyncadd.s32 $0xFFFFFF80  }
0x1c: {  	[tilespmem:s7], [sflag:$0x2] =	stream.linear.gather [hbm4b:s8+s2], $0xC000, $0x38;
	[tilespmem:$0xC080] =	vst v63  }
0x1d: {  	_ =	swait.ge [sflag:s6], $0xC000  }
0x1e: {  	[sflag:s6] =	ssyncset.done $0x0  }
0x1f: {  	[sflag:s6] =	ssyncadd.s32 $0xFFFF4000  }
0x20: {  	v3 =	vld [tilespmem:$0x0];
	_ =	sdelay $0x4  }
0x21: {  	v4 =	vshrl.u32 v3, $0x3  }
0x22: {  	v4 =	vmul.u32 $0x18, v4  }
0x23: {  	v3 =	vand.u32 $0x7, v3  }
0x24: {  	v3 =	vor.u32 v3, v4  }
0x25: {  	v4 =	vperm.xlane v3, v0;
	_ =	sdelay $0x1  }
0x26: {  	v4 =	vadd.s32 v1, v4;
	_ =	sdelay $0x1  }
0x27: {  	v3 =	vperm.xlane v3, v2;
	_ =	sdelay $0x1  }
0x28: {  	v3 =	vadd.s32 v1, v3  }
0x29: {  	[hbm4b:s3+s2] =	stream.indirect_vreg.scatter [tilespmem:s7], [sflag:$0x1], $0x80, v4, vm0, $0xb8;
	[tilespmem:$0xC080] =	vst v63  }
0x2a: {  	s0 =	rddreg [dreg:$0x5]  }
0x2b: {  	[hbm4b:s4+s2] =	stream.indirect_vreg.scatter [tilespmem:s0], [sflag:$0x1], $0x80, v4, vm1, $0xb8;
	[tilespmem:$0xC080] =	vst v63  }
0x2c: {  	s8 =	rddreg [dreg:$0x6]  }
0x2d: {  	[hbm4b:s3+s2] =	stream.indirect_vreg.scatter [tilespmem:s8], [sflag:$0x1], $0x80, v3, vm0, $0xb8;
	[tilespmem:$0xC080] =	vst v63  }
0x2e: {  	s0 =	rddreg [dreg:$0x7]  }
0x2f: {  	[hbm4b:s4+s2] =	stream.indirect_vreg.scatter [tilespmem:s0], [sflag:$0x1], $0x80, v3, vm1, $0xb8;
	[tilespmem:$0xC080] =	vst v63  }
0x30: {  	v3 =	vld [tilespmem:$0x10];
	_ =	sdelay $0x4  }
0x31: {  	v57 =	vshrl.u32 v3, $0x3  }
0x32: {  	v4 =	vmul.u32 $0x18, v57  }
0x33: {  	v3 =	vand.u32 $0x7, v3  }
0x34: {  	v3 =	vor.u32 v3, v4  }
0x35: {  	v4 =	vperm.xlane v3, v0;
	_ =	sdelay $0x1  }
0x36: {  	v4 =	vadd.s32 v1, v4;
	_ =	sdelay $0x1  }
0x37: {  	v3 =	vperm.xlane v3, v2;
	_ =	sdelay $0x1  }
0x38: {  	s0 =	rddreg [dreg:$0x8];
	v3 =	vadd.s32 v1, v3  }
0x39: {  	[hbm4b:s3+s2] =	stream.indirect_vreg.scatter [tilespmem:s0], [sflag:$0x1], $0x80, v4, vm0, $0xb8;
	[tilespmem:$0xC080] =	vst v63  }
0x3a: {  	s8 =	rddreg [dreg:$0x9]  }
0x3b: {  	[hbm4b:s4+s2] =	stream.indirect_vreg.scatter [tilespmem:s8], [sflag:$0x1], $0x80, v4, vm1, $0xb8;
	[tilespmem:$0xC080] =	vst v63  }
0x3c: {  	s0 =	rddreg [dreg:$0xa]  }
0x3d: {  	[hbm4b:s3+s2] =	stream.indirect_vreg.scatter [tilespmem:s0], [sflag:$0x1], $0x80, v3, vm0, $0xb8;
	[tilespmem:$0xC080] =	vst v63  }
0x3e: {  	s8 =	rddreg [dreg:$0xb]  }
0x3f: {  	[hbm4b:s4+s2] =	stream.indirect_vreg.scatter [tilespmem:s8], [sflag:$0x1], $0x80, v3, vm1, $0xb8;
	[tilespmem:$0xC080] =	vst v63  }
0x40: {  	v3 =	vld [tilespmem:$0x20];
	_ =	sdelay $0x4  }
0x41: {  	v58 =	vshrl.u32 v3, $0x3  }
0x42: {  	v4 =	vmul.u32 $0x18, v58  }
0x43: {  	v3 =	vand.u32 $0x7, v3  }
0x44: {  	v3 =	vor.u32 v3, v4  }
0x45: {  	v4 =	vperm.xlane v3, v0;
	_ =	sdelay $0x1  }
0x46: {  	v4 =	vadd.s32 v1, v4;
	_ =	sdelay $0x1  }
0x47: {  	v3 =	vperm.xlane v3, v2;
	_ =	sdelay $0x1  }
0x48: {  	s8 =	rddreg [dreg:$0xc];
	v3 =	vadd.s32 v1, v3  }
0x49: {  	[hbm4b:s3+s2] =	stream.indirect_vreg.scatter [tilespmem:s8], [sflag:$0x1], $0x80, v4, vm0, $0xb8;
	[tilespmem:$0xC080] =	vst v63  }
0x4a: {  	s8 =	simm.s32 $0x3880  }
0x4b: {  	[hbm4b:s4+s2] =	stream.indirect_vreg.scatter [tilespmem:s8], [sflag:$0x1], $0x80, v4, vm1, $0xb8;
	[tilespmem:$0xC080] =	vst v63  }
0x4c: {  	_ = 	snop  }
0x4d: {  	[hbm4b:s3+s2] =	stream.indirect_vreg.scatter [tilespmem:s9], [sflag:$0x1], $0x80, v3, vm0, $0xb8;
	[tilespmem:$0xC080] =	vst v63  }
0x4e: {  	_ = 	snop  }
0x4f: {  	[hbm4b:s4+s2] =	stream.indirect_vreg.scatter [tilespmem:s10], [sflag:$0x1], $0x80, v3, vm1, $0xb8;
	[tilespmem:$0xC080] =	vst v63  }
0x50: {  	v3 =	vld [tilespmem:$0x30];
	_ =	sdelay $0x4  }
0x51: {  	v59 =	vshrl.u32 v3, $0x3  }
0x52: {  	v4 =	vmul.u32 $0x18, v59  }
0x53: {  	v3 =	vand.u32 $0x7, v3  }
0x54: {  	v3 =	vor.u32 v3, v4  }
0x55: {  	v4 =	vperm.xlane v3, v0;
	_ =	sdelay $0x1  }
0x56: {  	v4 =	vadd.s32 v1, v4;
	_ =	sdelay $0x1  }
0x57: {  	v3 =	vperm.xlane v3, v2;
	_ =	sdelay $0x1  }
0x58: {  	v3 =	vadd.s32 v1, v3  }
0x59: {  	[hbm4b:s3+s2] =	stream.indirect_vreg.scatter [tilespmem:s11], [sflag:$0x1], $0x80, v4, vm0, $0xb8;
	[tilespmem:$0xC080] =	vst v63  }
0x5a: {  	_ = 	snop  }
0x5b: {  	[hbm4b:s4+s2] =	stream.indirect_vreg.scatter [tilespmem:s12], [sflag:$0x1], $0x80, v4, vm1, $0xb8;
	[tilespmem:$0xC080] =	vst v63  }
0x5c: {  	_ = 	snop  }
0x5d: {  	[hbm4b:s3+s2] =	stream.indirect_vreg.scatter [tilespmem:s13], [sflag:$0x1], $0x80, v3, vm0, $0xb8;
	[tilespmem:$0xC080] =	vst v63  }
0x5e: {  	_ = 	snop  }
0x5f: {  	[hbm4b:s4+s2] =	stream.indirect_vreg.scatter [tilespmem:s14], [sflag:$0x1], $0x80, v3, vm1, $0xb8;
	[tilespmem:$0xC080] =	vst v63  }
0x60: {  	v3 =	vld [tilespmem:$0x40];
	_ =	sdelay $0x4  }
0x61: {  	v60 =	vshrl.u32 v3, $0x3  }
0x62: {  	v4 =	vmul.u32 $0x18, v60  }
0x63: {  	v3 =	vand.u32 $0x7, v3  }
0x64: {  	v3 =	vor.u32 v3, v4  }
0x65: {  	v4 =	vperm.xlane v3, v0;
	_ =	sdelay $0x1  }
0x66: {  	v4 =	vadd.s32 v1, v4;
	_ =	sdelay $0x1  }
0x67: {  	v3 =	vperm.xlane v3, v2;
	_ =	sdelay $0x1  }
0x68: {  	v3 =	vadd.s32 v1, v3  }
0x69: {  	[hbm4b:s3+s2] =	stream.indirect_vreg.scatter [tilespmem:s15], [sflag:$0x1], $0x80, v4, vm0, $0xb8;
	[tilespmem:$0xC080] =	vst v63  }
0x6a: {  	_ = 	snop  }
0x6b: {  	[hbm4b:s4+s2] =	stream.indirect_vreg.scatter [tilespmem:s16], [sflag:$0x1], $0x80, v4, vm1, $0xb8;
	[tilespmem:$0xC080] =	vst v63  }
0x6c: {  	_ = 	snop  }
0x6d: {  	[hbm4b:s3+s2] =	stream.indirect_vreg.scatter [tilespmem:s17], [sflag:$0x1], $0x80, v3, vm0, $0xb8;
	[tilespmem:$0xC080] =	vst v63  }
0x6e: {  	_ = 	snop  }
0x6f: {  	[hbm4b:s4+s2] =	stream.indirect_vreg.scatter [tilespmem:s18], [sflag:$0x1], $0x80, v3, vm1, $0xb8;
	[tilespmem:$0xC080] =	vst v63  }
0x70: {  	v3 =	vld [tilespmem:$0x50];
	_ =	sdelay $0x4  }
0x71: {  	v61 =	vshrl.u32 v3, $0x3  }
0x72: {  	v4 =	vmul.u32 $0x18, v61  }
0x73: {  	v3 =	vand.u32 $0x7, v3  }
0x74: {  	v3 =	vor.u32 v3, v4  }
0x75: {  	v4 =	vperm.xlane v3, v0;
	_ =	sdelay $0x1  }
0x76: {  	v4 =	vadd.s32 v1, v4;
	_ =	sdelay $0x1  }
0x77: {  	v3 =	vperm.xlane v3, v2;
	_ =	sdelay $0x1  }
0x78: {  	v3 =	vadd.s32 v1, v3  }
0x79: {  	[hbm4b:s3+s2] =	stream.indirect_vreg.scatter [tilespmem:s19], [sflag:$0x1], $0x80, v4, vm0, $0xb8;
	[tilespmem:$0xC080] =	vst v63  }
0x7a: {  	_ = 	snop  }
0x7b: {  	[hbm4b:s4+s2] =	stream.indirect_vreg.scatter [tilespmem:s20], [sflag:$0x1], $0x80, v4, vm1, $0xb8;
	[tilespmem:$0xC080] =	vst v63  }
0x7c: {  	_ = 	snop  }
0x7d: {  	[hbm4b:s3+s2] =	stream.indirect_vreg.scatter [tilespmem:s21], [sflag:$0x1], $0x80, v3, vm0, $0xb8;
	[tilespmem:$0xC080] =	vst v63  }
0x7e: {  	_ = 	snop  }
0x7f: {  	[hbm4b:s4+s2] =	stream.indirect_vreg.scatter [tilespmem:s22], [sflag:$0x1], $0x80, v3, vm1, $0xb8;
	[tilespmem:$0xC080] =	vst v63  }
0x80: {  	v3 =	vld [tilespmem:$0x60];
	_ =	sdelay $0x4  }
0x81: {  	v62 =	vshrl.u32 v3, $0x3  }
0x82: {  	v4 =	vmul.u32 $0x18, v62  }
0x83: {  	v3 =	vand.u32 $0x7, v3  }
0x84: {  	v3 =	vor.u32 v3, v4  }
0x85: {  	v4 =	vperm.xlane v3, v0;
	_ =	sdelay $0x1  }
0x86: {  	v4 =	vadd.s32 v1, v4;
	_ =	sdelay $0x1  }
0x87: {  	v3 =	vperm.xlane v3, v2;
	_ =	sdelay $0x1  }
0x88: {  	v3 =	vadd.s32 v1, v3  }
0x89: {  	[hbm4b:s3+s2] =	stream.indirect_vreg.scatter [tilespmem:s23], [sflag:$0x1], $0x80, v4, vm0, $0xb8;
	[tilespmem:$0xC080] =	vst v63  }
0x8a: {  	_ = 	snop  }
0x8b: {  	[hbm4b:s4+s2] =	stream.indirect_vreg.scatter [tilespmem:s24], [sflag:$0x1], $0x80, v4, vm1, $0xb8;
	[tilespmem:$0xC080] =	vst v63  }
0x8c: {  	_ = 	snop  }
0x8d: {  	[hbm4b:s3+s2] =	stream.indirect_vreg.scatter [tilespmem:s25], [sflag:$0x1], $0x80, v3, vm0, $0xb8;
	[tilespmem:$0xC080] =	vst v63  }
0x8e: {  	_ = 	snop  }
0x8f: {  	[hbm4b:s4+s2] =	stream.indirect_vreg.scatter [tilespmem:s26], [sflag:$0x1], $0x80, v3, vm1, $0xb8;
	[tilespmem:$0xC080] =	vst v63  }
0x90: {  	v3 =	vld [tilespmem:$0x70];
	_ =	sdelay $0x4  }
0x91: {  	v63 =	vshrl.u32 v3, $0x3  }
0x92: {  	v4 =	vmul.u32 $0x18, v63  }
0x93: {  	v3 =	vand.u32 $0x7, v3  }
0x94: {  	v3 =	vor.u32 v3, v4  }
0x95: {  	v4 =	vperm.xlane v3, v0;
	_ =	sdelay $0x1  }
0x96: {  	v4 =	vadd.s32 v1, v4;
	_ =	sdelay $0x1  }
0x97: {  	v3 =	vperm.xlane v3, v2;
	_ =	sdelay $0x1  }
0x98: {  	v3 =	vadd.s32 v1, v3  }
0x99: {  	[hbm4b:s3+s2] =	stream.indirect_vreg.scatter [tilespmem:s28], [sflag:$0x1], $0x80, v4, vm0, $0xb8;
	[tilespmem:$0xC080] =	vst v63  }
0x9a: {  	_ = 	snop  }
0x9b: {  	[hbm4b:s4+s2] =	stream.indirect_vreg.scatter [tilespmem:s29], [sflag:$0x1], $0x80, v4, vm1, $0xb8;
	[tilespmem:$0xC080] =	vst v63  }
0x9c: {  	p0 =	sne.s32 s5, $0x1  }
0x9d: {  	[hbm4b:s3+s2] =	stream.indirect_vreg.scatter [tilespmem:s30], [sflag:$0x1], $0x80, v3, vm0, $0xb8;
	[tilespmem:$0xC080] =	vst v63  }
.Ltmp0:
0x9e: {  	_ = 	snop;
	(pc) =	sbr.rel @p0 .LBB2_1-.Ltmp0, $4  }
0x9f: {  	[hbm4b:s4+s2] =	stream.indirect_vreg.scatter [tilespmem:s31], [sflag:$0x1], $0x80, v3, vm1, $0xb8;
	[tilespmem:$0xC080] =	vst v63  }
0xa0: {  	_ =	swait.ge [sflag:s1], $0xC000  }
0xa1: {  	[sflag:s1] =	ssyncset.done $0x0  }
0xa2: {  	s5 =	sadd.s32 $0xFFFFFFFF, s5;
	[sflag:s1] =	ssyncadd.s32 $0xFFFF4000  }
0xa3: {  	_ =	sfence.sel $0x180000  }
0xa4: {  	[bflag:$0x0] =	sbarrier.arrive $0xFFFF  }
0xa5: {  	_ =	strace $0x90000047  }
0xa6: {  	s0 =	stileid.u32;
	[bflag:$0x2] =	sbarrier.arrive $0xFFFF  }
0xa7: {  	p0 =	sne.s32 s0, $0x0;
	s0 =	rddreg [dreg:$0x2]  }
0xa8: {  	s0 =	sadd.s32 @!p0 $0x100000, s0  }
0xa9: {  	[sflag:s0] =	ssyncadd.tile.s32 @!p0 $0x1;
	_ =	shalt  }
.Lfunc_end2:
_tile_overlayer_lowered:
.L_overlay_start_2:
0xaa: {  	(tag) =	ssettag $0x2  }
0xab: {  	s0 =	rddreg [dreg:$0x0];
	s2 =	stileid.u32  }
0xac: {  	s1 =	rddreg [dreg:$0x1];
	p0 =	sne.s32 s2, $0x0  }
0xad: {  	s3 =	rddreg [dreg:$0x2];
	[bflag:$0x3] =	sbarrier.arrive $0xFFFF;
	s2 =	simm.s32 @!p0 $0x1C02  }
0xae: {  	[timem:s3], [sflag:s2] =	dma.local @!p0 [hbm:s0], s1  }
0xaf: {  	s0 =	simm.s32 @!p0 $0x2  }
0xb0: {  	_ =	swait.ge @!p0 [sflag:s0], s1  }
0xb1: {  	s1 =	ssub.s32 @!p0 $0x0, s1;
	[sflag:s0] =	ssyncset.done @!p0 $0x0  }
0xb2: {  	[sflag:s0] =	ssyncadd.s32 @!p0 s1  }
0xb3: {  	[bflag:$0x3] =	sbarrier.arrive $0xFFFF  }
0xb4: {  	_ =	shalt  }

</sc_bundles>
